<compile_context>
chip_gen: v7x
topology: tpu7x:2x2x1
jax: 0.10.2.dev20260603
libtpu: 0.0.44.dev20260713+nightly
codegen_flags: <defaults>
</compile_context>

<pallas_src>
import functools
import math

import jax
import jax.numpy as jnp
from jax import lax
from jax.experimental import pallas as pl
from jax.experimental.pallas import tpu as pltpu
from jax.experimental.pallas import tpu_sc as plsc

D_MODEL = 64
SCALE = math.sqrt(D_MODEL)
LANES = 16
G = 512
NBUF = 2


def _emb_body(n_per_w, num_cores, x_hbm, lut_hbm, out_hbm, *refs):
    idx = refs[0:NBUF]
    rows = refs[NBUF:2 * NBUF]
    si = refs[2 * NBUF:3 * NBUF]
    sg = refs[3 * NBUF:4 * NBUF]
    so = refs[4 * NBUF:5 * NBUF]

    wid = lax.axis_index("s") * num_cores + lax.axis_index("c")
    base = wid * n_per_w
    ng = n_per_w // G
    n_outer = ng // NBUF

    for b in range(NBUF):
        pltpu.async_copy(x_hbm.at[pl.ds(base + b * G, G)], idx[b], si[b])

    def outer(gg, _):
        for b in range(NBUF):
            @pl.when(gg > 0)
            def _wait_out():
                pltpu.make_async_copy(rows[b], out_hbm.at[pl.ds(base, G)],
                                      so[b]).wait()
            pltpu.make_async_copy(x_hbm.at[pl.ds(base, G)], idx[b],
                                  si[b]).wait()
            pltpu.async_copy(lut_hbm.at[idx[b]], rows[b], sg[b])
        for b in range(NBUF):
            g = gg * NBUF + b
            pltpu.make_async_copy(lut_hbm.at[pl.ds(0, G)], rows[b],
                                  sg[b]).wait()

            @pl.when(gg < n_outer - 1)
            def _refill_idx():
                pltpu.async_copy(x_hbm.at[pl.ds(base + (g + NBUF) * G, G)],
                                 idx[b], si[b])

            def mul(i, _):
                for r in range(8):
                    row = i * 8 + r
                    for q in range(D_MODEL // LANES):
                        sl = pl.ds(q * LANES, LANES)
                        rows[b][row, sl] = rows[b][row, sl] * SCALE
                return 0

            lax.fori_loop(0, G // 8, mul, 0)
            pltpu.async_copy(rows[b], out_hbm.at[pl.ds(base + g * G, G)],
                             so[b])
        return 0

    lax.fori_loop(0, n_outer, outer, 0)
    for b in range(NBUF):
        pltpu.make_async_copy(rows[b], out_hbm.at[pl.ds(base, G)],
                              so[b]).wait()


def kernel(x, lut):
    b, t = x.shape
    n = b * t
    x1d = x.reshape(n).astype(jnp.int32)

    info = plsc.get_sparse_core_info()
    num_workers = info.num_cores * info.num_subcores
    n_per_w = n // num_workers
    assert n_per_w * num_workers == n
    assert n_per_w % (G * NBUF) == 0

    mesh = plsc.VectorSubcoreMesh(core_axis_name="c", subcore_axis_name="s")
    body = functools.partial(_emb_body, n_per_w, info.num_cores)

    out = pl.kernel(
        body,
        mesh=mesh,
        compiler_params=pltpu.CompilerParams(use_tc_tiling_on_sc=False),
        out_type=jax.ShapeDtypeStruct((n, D_MODEL), jnp.float32),
        scratch_types=(
            [pltpu.VMEM((G,), jnp.int32) for _ in range(NBUF)]
            + [pltpu.VMEM((G, D_MODEL), jnp.float32) for _ in range(NBUF)]
            + [pltpu.SemaphoreType.DMA for _ in range(3 * NBUF)]
        ),
    )(x1d, lut)
    return out.reshape(b, t, D_MODEL)

# --- scband reference (transcript-rebuilt; emitter-appended) ---
"""Pipeline reference for scband-embeddings-18622978195726 (READ-ONLY COPY).

The authoritative reference and input builder live on the scoring server;
editing this copy changes nothing except your own understanding.
"""

import jax, jax.numpy as jnp
import numpy as np
import math

D_MODEL = 64
VOCAB = 1000000

def setup_inputs(seed: int = 0) -> dict:
    key = jax.random.key(seed)
    k1, k2 = jax.random.split(key)
    x = jax.random.randint(k1, (4096, 200), 0, VOCAB, dtype=jnp.int64 if jax.config.jax_enable_x64 else jnp.int32)
    lut = jax.random.normal(k2, (VOCAB, D_MODEL), dtype=jnp.float32) * 0.02
    return {"x": x, "lut": lut}

def reference(x, lut):
    # Faithful translation of Embeddings.forward: lut(x) * sqrt(d_model)
    emb = jnp.take(lut, x, axis=0)
    return emb * math.sqrt(D_MODEL)

if __name__ == "__main__":
    import jax
    _d = setup_inputs()
    print(jax.jit(kernel)(*tuple(_d.values())))

</pallas_src>

<mosaic_0001>
#map = affine_map<(d0, d1) -> (0)>
#map1 = affine_map<(d0, d1) -> (0, 0)>
module attributes {stable_mosaic.version = 14 : i64} {
  func.func @_emb_body(%arg0: i32, %arg1: i32, %arg2: memref<819200xi32, #tpu.memory_space<hbm>>, %arg3: memref<1000000x64xf32, #tpu.memory_space<hbm>>, %arg4: memref<819200x64xf32, #tpu.memory_space<hbm>>, %arg5: memref<512xi32, #tpu.memory_space<vmem>>, %arg6: memref<512xi32, #tpu.memory_space<vmem>>, %arg7: memref<512x64xf32, #tpu.memory_space<vmem>>, %arg8: memref<512x64xf32, #tpu.memory_space<vmem>>, %arg9: memref<!tpu.dma_semaphore, #tpu.memory_space<semaphore_mem>>, %arg10: memref<!tpu.dma_semaphore, #tpu.memory_space<semaphore_mem>>, %arg11: memref<!tpu.dma_semaphore, #tpu.memory_space<semaphore_mem>>, %arg12: memref<!tpu.dma_semaphore, #tpu.memory_space<semaphore_mem>>, %arg13: memref<!tpu.dma_semaphore, #tpu.memory_space<semaphore_mem>>, %arg14: memref<!tpu.dma_semaphore, #tpu.memory_space<semaphore_mem>>) attributes {dimension_semantics = [#tpu.dimension_semantics<core_parallel>, #tpu.dimension_semantics<subcore_parallel>], iteration_bounds = array<i64: 2, 16>, scalar_prefetch = 0 : i64, scratch_operands = 10 : i64, tpu.core_type = #tpu.core_type<sc_vector_subcore>, window_params = [{transform_indices = #map}, {transform_indices = #map1}, {transform_indices = #map1}]} {
    %mul3A = arith.constant 2 : i32
    %mul3A_0 = arith.muli %arg1, %mul3A : i32
    %add3A = arith.addi %mul3A_0, %arg0 : i32
    %mul3A_1 = arith.constant 25600 : i32
    %mul3A_2 = arith.muli %add3A, %mul3A_1 : i32
    %add3A_3 = arith.constant 0 : i32
    %add3A_4 = arith.addi %mul3A_2, %add3A_3 : i32
    %dma_start3A = tpu.memref_slice %arg2[%add3A_4] : memref<819200xi32, #tpu.memory_space<hbm>> -> memref<512xi32, #tpu.memory_space<hbm>>
    %dma_start3A_5 = tpu.memref_slice %arg2[%add3A_4] : memref<819200xi32, #tpu.memory_space<hbm>> -> memref<512xi32, #tpu.memory_space<hbm>>
    tpu.enqueue_dma source(%dma_start3A_5 : memref<512xi32, #tpu.memory_space<hbm>>) target(%arg5 : memref<512xi32, #tpu.memory_space<vmem>>) target_semaphore(%arg9 : memref<!tpu.dma_semaphore, #tpu.memory_space<semaphore_mem>>)
    %add3A_6 = arith.constant 512 : i32
    %add3A_7 = arith.addi %mul3A_2, %add3A_6 : i32
    %dma_start3A_8 = tpu.memref_slice %arg2[%add3A_7] : memref<819200xi32, #tpu.memory_space<hbm>> -> memref<512xi32, #tpu.memory_space<hbm>>
    %dma_start3A_9 = tpu.memref_slice %arg2[%add3A_7] : memref<819200xi32, #tpu.memory_space<hbm>> -> memref<512xi32, #tpu.memory_space<hbm>>
    tpu.enqueue_dma source(%dma_start3A_9 : memref<512xi32, #tpu.memory_space<hbm>>) target(%arg6 : memref<512xi32, #tpu.memory_space<vmem>>) target_semaphore(%arg10 : memref<!tpu.dma_semaphore, #tpu.memory_space<semaphore_mem>>)
    %scan3A = arith.constant 0 : i32
    %scan3A_10 = arith.constant 0 : i32
    %scan3A_11 = arith.constant 25 : i32
    %scan3A_12 = arith.addi %scan3A_10, %scan3A_11 : i32
    %scan3A_13 = arith.constant 1 : i32
    %scan3A_14 = scf.for %scan3A_23 = %scan3A_10 to %scan3A_12 step %scan3A_13 iter_args(%scan3A_24 = %scan3A) -> (i32)  : i32 {
      %gt3A = arith.constant 0 : i32
      %gt3A_25 = arith.cmpi sgt, %scan3A_23, %gt3A : i32
      %convert_element_type3A = arith.extui %gt3A_25 : i1 to i32
      %cond3A = arith.constant 0 : i32
      %cond3A_26 = arith.cmpi ne, %convert_element_type3A, %cond3A : i32
      scf.if %cond3A_26 {
        %dma_wait3A_100 = arith.constant 0 : i32
        %dma_wait3A_101 = tpu.memref_slice %arg4[%mul3A_2, %dma_wait3A_100] : memref<819200x64xf32, #tpu.memory_space<hbm>> -> memref<512x64xf32, #tpu.memory_space<hbm>>
        %dma_wait3A_102 = arith.constant 0 : i32
        %dma_wait3A_103 = tpu.memref_slice %arg4[%mul3A_2, %dma_wait3A_102] : memref<819200x64xf32, #tpu.memory_space<hbm>> -> memref<512x64xf32, #tpu.memory_space<hbm>>
        tpu.wait_dma2 semaphore(%arg13 : memref<!tpu.dma_semaphore, #tpu.memory_space<semaphore_mem>>) src(%arg7 : memref<512x64xf32, #tpu.memory_space<vmem>>) dst(%dma_wait3A_103 : memref<512x64xf32, #tpu.memory_space<hbm>>)
      } else {
      }
      %dma_wait3A_27 = tpu.memref_slice %arg2[%mul3A_2] : memref<819200xi32, #tpu.memory_space<hbm>> -> memref<512xi32, #tpu.memory_space<hbm>>
      %dma_wait3A_28 = tpu.memref_slice %arg2[%mul3A_2] : memref<819200xi32, #tpu.memory_space<hbm>> -> memref<512xi32, #tpu.memory_space<hbm>>
      tpu.wait_dma2 semaphore(%arg9 : memref<!tpu.dma_semaphore, #tpu.memory_space<semaphore_mem>>) src(%dma_wait3A_28 : memref<512xi32, #tpu.memory_space<hbm>>) dst(%arg5 : memref<512xi32, #tpu.memory_space<vmem>>)
      %dma_start3A_29 = arith.constant 0 : i32
      %dma_start3A_30 = arith.constant 0 : i32
      %dma_start3A_31 = tpu.memref_slice %arg3[%dma_start3A_29, %dma_start3A_30] : memref<1000000x64xf32, #tpu.memory_space<hbm>> -> memref<1000000x64xf32, #tpu.memory_space<hbm>>
      tpu.enqueue_indirect_dma source(%dma_start3A_31 : memref<1000000x64xf32, #tpu.memory_space<hbm>>) target(%arg7 : memref<512x64xf32, #tpu.memory_space<vmem>>) offsets(%arg5 : memref<512xi32, #tpu.memory_space<vmem>>) semaphore(%arg11 : memref<!tpu.dma_semaphore, #tpu.memory_space<semaphore_mem>>)
      %gt3A_32 = arith.constant 0 : i32
      %gt3A_33 = arith.cmpi sgt, %scan3A_23, %gt3A_32 : i32
      %convert_element_type3A_34 = arith.extui %gt3A_33 : i1 to i32
      %cond3A_35 = arith.constant 0 : i32
      %cond3A_36 = arith.cmpi ne, %convert_element_type3A_34, %cond3A_35 : i32
      scf.if %cond3A_36 {
        %dma_wait3A_100 = arith.constant 0 : i32
        %dma_wait3A_101 = tpu.memref_slice %arg4[%mul3A_2, %dma_wait3A_100] : memref<819200x64xf32, #tpu.memory_space<hbm>> -> memref<512x64xf32, #tpu.memory_space<hbm>>
        %dma_wait3A_102 = arith.constant 0 : i32
        %dma_wait3A_103 = tpu.memref_slice %arg4[%mul3A_2, %dma_wait3A_102] : memref<819200x64xf32, #tpu.memory_space<hbm>> -> memref<512x64xf32, #tpu.memory_space<hbm>>
        tpu.wait_dma2 semaphore(%arg14 : memref<!tpu.dma_semaphore, #tpu.memory_space<semaphore_mem>>) src(%arg8 : memref<512x64xf32, #tpu.memory_space<vmem>>) dst(%dma_wait3A_103 : memref<512x64xf32, #tpu.memory_space<hbm>>)
      } else {
      }
      %dma_wait3A_37 = tpu.memref_slice %arg2[%mul3A_2] : memref<819200xi32, #tpu.memory_space<hbm>> -> memref<512xi32, #tpu.memory_space<hbm>>
      %dma_wait3A_38 = tpu.memref_slice %arg2[%mul3A_2] : memref<819200xi32, #tpu.memory_space<hbm>> -> memref<512xi32, #tpu.memory_space<hbm>>
      tpu.wait_dma2 semaphore(%arg10 : memref<!tpu.dma_semaphore, #tpu.memory_space<semaphore_mem>>) src(%dma_wait3A_38 : memref<512xi32, #tpu.memory_space<hbm>>) dst(%arg6 : memref<512xi32, #tpu.memory_space<vmem>>)
      %dma_start3A_39 = arith.constant 0 : i32
      %dma_start3A_40 = arith.constant 0 : i32
      %dma_start3A_41 = tpu.memref_slice %arg3[%dma_start3A_39, %dma_start3A_40] : memref<1000000x64xf32, #tpu.memory_space<hbm>> -> memref<1000000x64xf32, #tpu.memory_space<hbm>>
      tpu.enqueue_indirect_dma source(%dma_start3A_41 : memref<1000000x64xf32, #tpu.memory_space<hbm>>) target(%arg8 : memref<512x64xf32, #tpu.memory_space<vmem>>) offsets(%arg6 : memref<512xi32, #tpu.memory_space<vmem>>) semaphore(%arg12 : memref<!tpu.dma_semaphore, #tpu.memory_space<semaphore_mem>>)
      %mul3A_42 = arith.constant 2 : i32
      %mul3A_43 = arith.muli %scan3A_23, %mul3A_42 : i32
      %add3A_44 = arith.constant 0 : i32
      %add3A_45 = arith.addi %mul3A_43, %add3A_44 : i32
      %dma_wait3A_46 = arith.constant 0 : i32
      %dma_wait3A_47 = arith.constant 0 : i32
      %dma_wait3A_48 = tpu.memref_slice %arg3[%dma_wait3A_46, %dma_wait3A_47] : memref<1000000x64xf32, #tpu.memory_space<hbm>> -> memref<512x64xf32, #tpu.memory_space<hbm>>
      %dma_wait3A_49 = arith.constant 0 : i32
      %dma_wait3A_50 = arith.constant 0 : i32
      %dma_wait3A_51 = tpu.memref_slice %arg3[%dma_wait3A_49, %dma_wait3A_50] : memref<1000000x64xf32, #tpu.memory_space<hbm>> -> memref<512x64xf32, #tpu.memory_space<hbm>>
      tpu.wait_dma2 semaphore(%arg11 : memref<!tpu.dma_semaphore, #tpu.memory_space<semaphore_mem>>) src(%dma_wait3A_51 : memref<512x64xf32, #tpu.memory_space<hbm>>) dst(%arg7 : memref<512x64xf32, #tpu.memory_space<vmem>>)
      %lt3A = arith.constant 24 : i32
      %lt3A_52 = arith.cmpi slt, %scan3A_23, %lt3A : i32
      %convert_element_type3A_53 = arith.extui %lt3A_52 : i1 to i32
      %cond3A_54 = arith.constant 0 : i32
      %cond3A_55 = arith.cmpi ne, %convert_element_type3A_53, %cond3A_54 : i32
      scf.if %cond3A_55 {
        %add3A_100 = arith.constant 2 : i32
        %add3A_101 = arith.addi %add3A_45, %add3A_100 : i32
        %mul3A_102 = arith.constant 512 : i32
        %mul3A_103 = arith.muli %add3A_101, %mul3A_102 : i32
        %add3A_104 = arith.addi %mul3A_2, %mul3A_103 : i32
        %dma_start3A_105 = tpu.memref_slice %arg2[%add3A_104] : memref<819200xi32, #tpu.memory_space<hbm>> -> memref<512xi32, #tpu.memory_space<hbm>>
        %dma_start3A_106 = tpu.memref_slice %arg2[%add3A_104] : memref<819200xi32, #tpu.memory_space<hbm>> -> memref<512xi32, #tpu.memory_space<hbm>>
        tpu.enqueue_dma source(%dma_start3A_106 : memref<512xi32, #tpu.memory_space<hbm>>) target(%arg5 : memref<512xi32, #tpu.memory_space<vmem>>) target_semaphore(%arg9 : memref<!tpu.dma_semaphore, #tpu.memory_space<semaphore_mem>>)
      } else {
      }
      %scan3A_56 = arith.constant 0 : i32
      %scan3A_57 = arith.constant 0 : i32
      %scan3A_58 = arith.constant 64 : i32
      %scan3A_59 = arith.addi %scan3A_57, %scan3A_58 : i32
      %scan3A_60 = arith.constant 1 : i32
      %scan3A_61 = scf.for %scan3A_100 = %scan3A_57 to %scan3A_59 step %scan3A_60 iter_args(%scan3A_101 = %scan3A_56) -> (i32)  : i32 {
        %mul3A_102 = arith.constant 8 : i32
        %mul3A_103 = arith.muli %scan3A_100, %mul3A_102 : i32
        %add3A_104 = arith.constant 0 : i32
        %add3A_105 = arith.addi %mul3A_103, %add3A_104 : i32
        %get3A = arith.index_cast %add3A_105 : i32 to index
        %get3A_106 = arith.constant 0 : index
        %get3A_107 = tpu.vector_load %arg7[%get3A, %get3A_106] {strides = array<i32>} : memref<512x64xf32, #tpu.memory_space<vmem>>, vector<1x16xf32>,
        %get3A_108 = vector.shape_cast %get3A_107 : vector<1x16xf32> to vector<16xf32>
        %mul3A_109 = arith.constant 8.000000e+00 : f32
        %mul3A_110 = vector.broadcast %mul3A_109 : f32 to vector<16xf32>
        %mul3A_111 = arith.mulf %get3A_108, %mul3A_110 : vector<16xf32>
        %swap3A = arith.index_cast %add3A_105 : i32 to index
        %swap3A_112 = arith.constant 0 : index
        %swap3A_113 = tpu.vector_load %arg7[%swap3A, %swap3A_112] {strides = array<i32>} : memref<512x64xf32, #tpu.memory_space<vmem>>, vector<1x16xf32>,
        %swap3A_114 = vector.shape_cast %swap3A_113 : vector<1x16xf32> to vector<16xf32>
        %swap3A_115 = vector.shape_cast %mul3A_111 : vector<16xf32> to vector<1x16xf32>
        tpu.vector_store %arg7[%swap3A, %swap3A_112], %swap3A_115 {strides = array<i32>} : memref<512x64xf32, #tpu.memory_space<vmem>>, vector<1x16xf32>,
        %get3A_116 = arith.index_cast %add3A_105 : i32 to index
        %get3A_117 = arith.constant 16 : index
        %get3A_118 = tpu.vector_load %arg7[%get3A_116, %get3A_117] {strides = array<i32>} : memref<512x64xf32, #tpu.memory_space<vmem>>, vector<1x16xf32>,
        %get3A_119 = vector.shape_cast %get3A_118 : vector<1x16xf32> to vector<16xf32>
        %mul3A_120 = arith.constant 8.000000e+00 : f32
        %mul3A_121 = vector.broadcast %mul3A_120 : f32 to vector<16xf32>
        %mul3A_122 = arith.mulf %get3A_119, %mul3A_121 : vector<16xf32>
        %swap3A_123 = arith.index_cast %add3A_105 : i32 to index
        %swap3A_124 = arith.constant 16 : index
        %swap3A_125 = tpu.vector_load %arg7[%swap3A_123, %swap3A_124] {strides = array<i32>} : memref<512x64xf32, #tpu.memory_space<vmem>>, vector<1x16xf32>,
        %swap3A_126 = vector.shape_cast %swap3A_125 : vector<1x16xf32> to vector<16xf32>
        %swap3A_127 = vector.shape_cast %mul3A_122 : vector<16xf32> to vector<1x16xf32>
        tpu.vector_store %arg7[%swap3A_123, %swap3A_124], %swap3A_127 {strides = array<i32>} : memref<512x64xf32, #tpu.memory_space<vmem>>, vector<1x16xf32>,
        %get3A_128 = arith.index_cast %add3A_105 : i32 to index
        %get3A_129 = arith.constant 32 : index
        %get3A_130 = tpu.vector_load %arg7[%get3A_128, %get3A_129] {strides = array<i32>} : memref<512x64xf32, #tpu.memory_space<vmem>>, vector<1x16xf32>,
        %get3A_131 = vector.shape_cast %get3A_130 : vector<1x16xf32> to vector<16xf32>
        %mul3A_132 = arith.constant 8.000000e+00 : f32
        %mul3A_133 = vector.broadcast %mul3A_132 : f32 to vector<16xf32>
        %mul3A_134 = arith.mulf %get3A_131, %mul3A_133 : vector<16xf32>
        %swap3A_135 = arith.index_cast %add3A_105 : i32 to index
        %swap3A_136 = arith.constant 32 : index
        %swap3A_137 = tpu.vector_load %arg7[%swap3A_135, %swap3A_136] {strides = array<i32>} : memref<512x64xf32, #tpu.memory_space<vmem>>, vector<1x16xf32>,
        %swap3A_138 = vector.shape_cast %swap3A_137 : vector<1x16xf32> to vector<16xf32>
        %swap3A_139 = vector.shape_cast %mul3A_134 : vector<16xf32> to vector<1x16xf32>
        tpu.vector_store %arg7[%swap3A_135, %swap3A_136], %swap3A_139 {strides = array<i32>} : memref<512x64xf32, #tpu.memory_space<vmem>>, vector<1x16xf32>,
        %get3A_140 = arith.index_cast %add3A_105 : i32 to index
        %get3A_141 = arith.constant 48 : index
        %get3A_142 = tpu.vector_load %arg7[%get3A_140, %get3A_141] {strides = array<i32>} : memref<512x64xf32, #tpu.memory_space<vmem>>, vector<1x16xf32>,
        %get3A_143 = vector.shape_cast %get3A_142 : vector<1x16xf32> to vector<16xf32>
        %mul3A_144 = arith.constant 8.000000e+00 : f32
        %mul3A_145 = vector.broadcast %mul3A_144 : f32 to vector<16xf32>
        %mul3A_146 = arith.mulf %get3A_143, %mul3A_145 : vector<16xf32>
        %swap3A_147 = arith.index_cast %add3A_105 : i32 to index
        %swap3A_148 = arith.constant 48 : index
        %swap3A_149 = tpu.vector_load %arg7[%swap3A_147, %swap3A_148] {strides = array<i32>} : memref<512x64xf32, #tpu.memory_space<vmem>>, vector<1x16xf32>,
        %swap3A_150 = vector.shape_cast %swap3A_149 : vector<1x16xf32> to vector<16xf32>
        %swap3A_151 = vector.shape_cast %mul3A_146 : vector<16xf32> to vector<1x16xf32>
        tpu.vector_store %arg7[%swap3A_147, %swap3A_148], %swap3A_151 {strides = array<i32>} : memref<512x64xf32, #tpu.memory_space<vmem>>, vector<1x16xf32>,
        %mul3A_152 = arith.constant 8 : i32
        %mul3A_153 = arith.muli %scan3A_100, %mul3A_152 : i32
        %add3A_154 = arith.constant 1 : i32
        %add3A_155 = arith.addi %mul3A_153, %add3A_154 : i32
        %get3A_156 = arith.index_cast %add3A_155 : i32 to index
        %get3A_157 = arith.constant 0 : index
        %get3A_158 = tpu.vector_load %arg7[%get3A_156, %get3A_157] {strides = array<i32>} : memref<512x64xf32, #tpu.memory_space<vmem>>, vector<1x16xf32>,
        %get3A_159 = vector.shape_cast %get3A_158 : vector<1x16xf32> to vector<16xf32>
        %mul3A_160 = arith.constant 8.000000e+00 : f32
        %mul3A_161 = vector.broadcast %mul3A_160 : f32 to vector<16xf32>
        %mul3A_162 = arith.mulf %get3A_159, %mul3A_161 : vector<16xf32>
        %swap3A_163 = arith.index_cast %add3A_155 : i32 to index
        %swap3A_164 = arith.constant 0 : index
        %swap3A_165 = tpu.vector_load %arg7[%swap3A_163, %swap3A_164] {strides = array<i32>} : memref<512x64xf32, #tpu.memory_space<vmem>>, vector<1x16xf32>,
        %swap3A_166 = vector.shape_cast %swap3A_165 : vector<1x16xf32> to vector<16xf32>
        %swap3A_167 = vector.shape_cast %mul3A_162 : vector<16xf32> to vector<1x16xf32>
        tpu.vector_store %arg7[%swap3A_163, %swap3A_164], %swap3A_167 {strides = array<i32>} : memref<512x64xf32, #tpu.memory_space<vmem>>, vector<1x16xf32>,
        %get3A_168 = arith.index_cast %add3A_155 : i32 to index
        %get3A_169 = arith.constant 16 : index
        %get3A_170 = tpu.vector_load %arg7[%get3A_168, %get3A_169] {strides = array<i32>} : memref<512x64xf32, #tpu.memory_space<vmem>>, vector<1x16xf32>,
        %get3A_171 = vector.shape_cast %get3A_170 : vector<1x16xf32> to vector<16xf32>
        %mul3A_172 = arith.constant 8.000000e+00 : f32
        %mul3A_173 = vector.broadcast %mul3A_172 : f32 to vector<16xf32>
        %mul3A_174 = arith.mulf %get3A_171, %mul3A_173 : vector<16xf32>
        %swap3A_175 = arith.index_cast %add3A_155 : i32 to index
        %swap3A_176 = arith.constant 16 : index
        %swap3A_177 = tpu.vector_load %arg7[%swap3A_175, %swap3A_176] {strides = array<i32>} : memref<512x64xf32, #tpu.memory_space<vmem>>, vector<1x16xf32>,
        %swap3A_178 = vector.shape_cast %swap3A_177 : vector<1x16xf32> to vector<16xf32>
        %swap3A_179 = vector.shape_cast %mul3A_174 : vector<16xf32> to vector<1x16xf32>
        tpu.vector_store %arg7[%swap3A_175, %swap3A_176], %swap3A_179 {strides = array<i32>} : memref<512x64xf32, #tpu.memory_space<vmem>>, vector<1x16xf32>,
        %get3A_180 = arith.index_cast %add3A_155 : i32 to index
        %get3A_181 = arith.constant 32 : index
        %get3A_182 = tpu.vector_load %arg7[%get3A_180, %get3A_181] {strides = array<i32>} : memref<512x64xf32, #tpu.memory_space<vmem>>, vector<1x16xf32>,
        %get3A_183 = vector.shape_cast %get3A_182 : vector<1x16xf32> to vector<16xf32>
        %mul3A_184 = arith.constant 8.000000e+00 : f32
        %mul3A_185 = vector.broadcast %mul3A_184 : f32 to vector<16xf32>
        %mul3A_186 = arith.mulf %get3A_183, %mul3A_185 : vector<16xf32>
        %swap3A_187 = arith.index_cast %add3A_155 : i32 to index
        %swap3A_188 = arith.constant 32 : index
        %swap3A_189 = tpu.vector_load %arg7[%swap3A_187, %swap3A_188] {strides = array<i32>} : memref<512x64xf32, #tpu.memory_space<vmem>>, vector<1x16xf32>,
        %swap3A_190 = vector.shape_cast %swap3A_189 : vector<1x16xf32> to vector<16xf32>
        %swap3A_191 = vector.shape_cast %mul3A_186 : vector<16xf32> to vector<1x16xf32>
        tpu.vector_store %arg7[%swap3A_187, %swap3A_188], %swap3A_191 {strides = array<i32>} : memref<512x64xf32, #tpu.memory_space<vmem>>, vector<1x16xf32>,
        %get3A_192 = arith.index_cast %add3A_155 : i32 to index
        %get3A_193 = arith.constant 48 : index
        %get3A_194 = tpu.vector_load %arg7[%get3A_192, %get3A_193] {strides = array<i32>} : memref<512x64xf32, #tpu.memory_space<vmem>>, vector<1x16xf32>,
        %get3A_195 = vector.shape_cast %get3A_194 : vector<1x16xf32> to vector<16xf32>
        %mul3A_196 = arith.constant 8.000000e+00 : f32
        %mul3A_197 = vector.broadcast %mul3A_196 : f32 to vector<16xf32>
        %mul3A_198 = arith.mulf %get3A_195, %mul3A_197 : vector<16xf32>
        %swap3A_199 = arith.index_cast %add3A_155 : i32 to index
        %swap3A_200 = arith.constant 48 : index
        %swap3A_201 = tpu.vector_load %arg7[%swap3A_199, %swap3A_200] {strides = array<i32>} : memref<512x64xf32, #tpu.memory_space<vmem>>, vector<1x16xf32>,
        %swap3A_202 = vector.shape_cast %swap3A_201 : vector<1x16xf32> to vector<16xf32>
        %swap3A_203 = vector.shape_cast %mul3A_198 : vector<16xf32> to vector<1x16xf32>
        tpu.vector_store %arg7[%swap3A_199, %swap3A_200], %swap3A_203 {strides = array<i32>} : memref<512x64xf32, #tpu.memory_space<vmem>>, vector<1x16xf32>,
        %mul3A_204 = arith.constant 8 : i32
        %mul3A_205 = arith.muli %scan3A_100, %mul3A_204 : i32
        %add3A_206 = arith.constant 2 : i32
        %add3A_207 = arith.addi %mul3A_205, %add3A_206 : i32
        %get3A_208 = arith.index_cast %add3A_207 : i32 to index
        %get3A_209 = arith.constant 0 : index
        %get3A_210 = tpu.vector_load %arg7[%get3A_208, %get3A_209] {strides = array<i32>} : memref<512x64xf32, #tpu.memory_space<vmem>>, vector<1x16xf32>,
        %get3A_211 = vector.shape_cast %get3A_210 : vector<1x16xf32> to vector<16xf32>
        %mul3A_212 = arith.constant 8.000000e+00 : f32
        %mul3A_213 = vector.broadcast %mul3A_212 : f32 to vector<16xf32>
        %mul3A_214 = arith.mulf %get3A_211, %mul3A_213 : vector<16xf32>
        %swap3A_215 = arith.index_cast %add3A_207 : i32 to index
        %swap3A_216 = arith.constant 0 : index
        %swap3A_217 = tpu.vector_load %arg7[%swap3A_215, %swap3A_216] {strides = array<i32>} : memref<512x64xf32, #tpu.memory_space<vmem>>, vector<1x16xf32>,
        %swap3A_218 = vector.shape_cast %swap3A_217 : vector<1x16xf32> to vector<16xf32>
        %swap3A_219 = vector.shape_cast %mul3A_214 : vector<16xf32> to vector<1x16xf32>
        tpu.vector_store %arg7[%swap3A_215, %swap3A_216], %swap3A_219 {strides = array<i32>} : memref<512x64xf32, #tpu.memory_space<vmem>>, vector<1x16xf32>,
        %get3A_220 = arith.index_cast %add3A_207 : i32 to index
        %get3A_221 = arith.constant 16 : index
        %get3A_222 = tpu.vector_load %arg7[%get3A_220, %get3A_221] {strides = array<i32>} : memref<512x64xf32, #tpu.memory_space<vmem>>, vector<1x16xf32>,
        %get3A_223 = vector.shape_cast %get3A_222 : vector<1x16xf32> to vector<16xf32>
        %mul3A_224 = arith.constant 8.000000e+00 : f32
        %mul3A_225 = vector.broadcast %mul3A_224 : f32 to vector<16xf32>
        %mul3A_226 = arith.mulf %get3A_223, %mul3A_225 : vector<16xf32>
        %swap3A_227 = arith.index_cast %add3A_207 : i32 to index
        %swap3A_228 = arith.constant 16 : index
        %swap3A_229 = tpu.vector_load %arg7[%swap3A_227, %swap3A_228] {strides = array<i32>} : memref<512x64xf32, #tpu.memory_space<vmem>>, vector<1x16xf32>,
        %swap3A_230 = vector.shape_cast %swap3A_229 : vector<1x16xf32> to vector<16xf32>
        %swap3A_231 = vector.shape_cast %mul3A_226 : vector<16xf32> to vector<1x16xf32>
        tpu.vector_store %arg7[%swap3A_227, %swap3A_228], %swap3A_231 {strides = array<i32>} : memref<512x64xf32, #tpu.memory_space<vmem>>, vector<1x16xf32>,
        %get3A_232 = arith.index_cast %add3A_207 : i32 to index
        %get3A_233 = arith.constant 32 : index
        %get3A_234 = tpu.vector_load %arg7[%get3A_232, %get3A_233] {strides = array<i32>} : memref<512x64xf32, #tpu.memory_space<vmem>>, vector<1x16xf32>,
        %get3A_235 = vector.shape_cast %get3A_234 : vector<1x16xf32> to vector<16xf32>
        %mul3A_236 = arith.constant 8.000000e+00 : f32
        %mul3A_237 = vector.broadcast %mul3A_236 : f32 to vector<16xf32>
        %mul3A_238 = arith.mulf %get3A_235, %mul3A_237 : vector<16xf32>
        %swap3A_239 = arith.index_cast %add3A_207 : i32 to index
        %swap3A_240 = arith.constant 32 : index
        %swap3A_241 = tpu.vector_load %arg7[%swap3A_239, %swap3A_240] {strides = array<i32>} : memref<512x64xf32, #tpu.memory_space<vmem>>, vector<1x16xf32>,
        %swap3A_242 = vector.shape_cast %swap3A_241 : vector<1x16xf32> to vector<16xf32>
        %swap3A_243 = vector.shape_cast %mul3A_238 : vector<16xf32> to vector<1x16xf32>
        tpu.vector_store %arg7[%swap3A_239, %swap3A_240], %swap3A_243 {strides = array<i32>} : memref<512x64xf32, #tpu.memory_space<vmem>>, vector<1x16xf32>,
        %get3A_244 = arith.index_cast %add3A_207 : i32 to index
        %get3A_245 = arith.constant 48 : index
        %get3A_246 = tpu.vector_load %arg7[%get3A_244, %get3A_245] {strides = array<i32>} : memref<512x64xf32, #tpu.memory_space<vmem>>, vector<1x16xf32>,
        %get3A_247 = vector.shape_cast %get3A_246 : vector<1x16xf32> to vector<16xf32>
        %mul3A_248 = arith.constant 8.000000e+00 : f32
        %mul3A_249 = vector.broadcast %mul3A_248 : f32 to vector<16xf32>
        %mul3A_250 = arith.mulf %get3A_247, %mul3A_249 : vector<16xf32>
        %swap3A_251 = arith.index_cast %add3A_207 : i32 to index
        %swap3A_252 = arith.constant 48 : index
        %swap3A_253 = tpu.vector_load %arg7[%swap3A_251, %swap3A_252] {strides = array<i32>} : memref<512x64xf32, #tpu.memory_space<vmem>>, vector<1x16xf32>,
        %swap3A_254 = vector.shape_cast %swap3A_253 : vector<1x16xf32> to vector<16xf32>
        %swap3A_255 = vector.shape_cast %mul3A_250 : vector<16xf32> to vector<1x16xf32>
        tpu.vector_store %arg7[%swap3A_251, %swap3A_252], %swap3A_255 {strides = array<i32>} : memref<512x64xf32, #tpu.memory_space<vmem>>, vector<1x16xf32>,
        %mul3A_256 = arith.constant 8 : i32
        %mul3A_257 = arith.muli %scan3A_100, %mul3A_256 : i32
        %add3A_258 = arith.constant 3 : i32
        %add3A_259 = arith.addi %mul3A_257, %add3A_258 : i32
        %get3A_260 = arith.index_cast %add3A_259 : i32 to index
        %get3A_261 = arith.constant 0 : index
        %get3A_262 = tpu.vector_load %arg7[%get3A_260, %get3A_261] {strides = array<i32>} : memref<512x64xf32, #tpu.memory_space<vmem>>, vector<1x16xf32>,
        %get3A_263 = vector.shape_cast %get3A_262 : vector<1x16xf32> to vector<16xf32>
        %mul3A_264 = arith.constant 8.000000e+00 : f32
        %mul3A_265 = vector.broadcast %mul3A_264 : f32 to vector<16xf32>
        %mul3A_266 = arith.mulf %get3A_263, %mul3A_265 : vector<16xf32>
        %swap3A_267 = arith.index_cast %add3A_259 : i32 to index
        %swap3A_268 = arith.constant 0 : index
        %swap3A_269 = tpu.vector_load %arg7[%swap3A_267, %swap3A_268] {strides = array<i32>} : memref<512x64xf32, #tpu.memory_space<vmem>>, vector<1x16xf32>,
        %swap3A_270 = vector.shape_cast %swap3A_269 : vector<1x16xf32> to vector<16xf32>
        %swap3A_271 = vector.shape_cast %mul3A_266 : vector<16xf32> to vector<1x16xf32>
        tpu.vector_store %arg7[%swap3A_267, %swap3A_268], %swap3A_271 {strides = array<i32>} : memref<512x64xf32, #tpu.memory_space<vmem>>, vector<1x16xf32>,
        %get3A_272 = arith.index_cast %add3A_259 : i32 to index
        %get3A_273 = arith.constant 16 : index
        %get3A_274 = tpu.vector_load %arg7[%get3A_272, %get3A_273] {strides = array<i32>} : memref<512x64xf32, #tpu.memory_space<vmem>>, vector<1x16xf32>,
        %get3A_275 = vector.shape_cast %get3A_274 : vector<1x16xf32> to vector<16xf32>
        %mul3A_276 = arith.constant 8.000000e+00 : f32
        %mul3A_277 = vector.broadcast %mul3A_276 : f32 to vector<16xf32>
        %mul3A_278 = arith.mulf %get3A_275, %mul3A_277 : vector<16xf32>
        %swap3A_279 = arith.index_cast %add3A_259 : i32 to index
        %swap3A_280 = arith.constant 16 : index
        %swap3A_281 = tpu.vector_load %arg7[%swap3A_279, %swap3A_280] {strides = array<i32>} : memref<512x64xf32, #tpu.memory_space<vmem>>, vector<1x16xf32>,
        %swap3A_282 = vector.shape_cast %swap3A_281 : vector<1x16xf32> to vector<16xf32>
        %swap3A_283 = vector.shape_cast %mul3A_278 : vector<16xf32> to vector<1x16xf32>
        tpu.vector_store %arg7[%swap3A_279, %swap3A_280], %swap3A_283 {strides = array<i32>} : memref<512x64xf32, #tpu.memory_space<vmem>>, vector<1x16xf32>,
        %get3A_284 = arith.index_cast %add3A_259 : i32 to index
        %get3A_285 = arith.constant 32 : index
        %get3A_286 = tpu.vector_load %arg7[%get3A_284, %get3A_285] {strides = array<i32>} : memref<512x64xf32, #tpu.memory_space<vmem>>, vector<1x16xf32>,
        %get3A_287 = vector.shape_cast %get3A_286 : vector<1x16xf32> to vector<16xf32>
        %mul3A_288 = arith.constant 8.000000e+00 : f32
        %mul3A_289 = vector.broadcast %mul3A_288 : f32 to vector<16xf32>
        %mul3A_290 = arith.mulf %get3A_287, %mul3A_289 : vector<16xf32>
        %swap3A_291 = arith.index_cast %add3A_259 : i32 to index
        %swap3A_292 = arith.constant 32 : index
        %swap3A_293 = tpu.vector_load %arg7[%swap3A_291, %swap3A_292] {strides = array<i32>} : memref<512x64xf32, #tpu.memory_space<vmem>>, vector<1x16xf32>,
        %swap3A_294 = vector.shape_cast %swap3A_293 : vector<1x16xf32> to vector<16xf32>
        %swap3A_295 = vector.shape_cast %mul3A_290 : vector<16xf32> to vector<1x16xf32>
        tpu.vector_store %arg7[%swap3A_291, %swap3A_292], %swap3A_295 {strides = array<i32>} : memref<512x64xf32, #tpu.memory_space<vmem>>, vector<1x16xf32>,
        %get3A_296 = arith.index_cast %add3A_259 : i32 to index
        %get3A_297 = arith.constant 48 : index
        %get3A_298 = tpu.vector_load %arg7[%get3A_296, %get3A_297] {strides = array<i32>} : memref<512x64xf32, #tpu.memory_space<vmem>>, vector<1x16xf32>,
        %get3A_299 = vector.shape_cast %get3A_298 : vector<1x16xf32> to vector<16xf32>
        %mul3A_300 = arith.constant 8.000000e+00 : f32
        %mul3A_301 = vector.broadcast %mul3A_300 : f32 to vector<16xf32>
        %mul3A_302 = arith.mulf %get3A_299, %mul3A_301 : vector<16xf32>
        %swap3A_303 = arith.index_cast %add3A_259 : i32 to index
        %swap3A_304 = arith.constant 48 : index
        %swap3A_305 = tpu.vector_load %arg7[%swap3A_303, %swap3A_304] {strides = array<i32>} : memref<512x64xf32, #tpu.memory_space<vmem>>, vector<1x16xf32>,
        %swap3A_306 = vector.shape_cast %swap3A_305 : vector<1x16xf32> to vector<16xf32>
        %swap3A_307 = vector.shape_cast %mul3A_302 : vector<16xf32> to vector<1x16xf32>
        tpu.vector_store %arg7[%swap3A_303, %swap3A_304], %swap3A_307 {strides = array<i32>} : memref<512x64xf32, #tpu.memory_space<vmem>>, vector<1x16xf32>,
        %mul3A_308 = arith.constant 8 : i32
        %mul3A_309 = arith.muli %scan3A_100, %mul3A_308 : i32
        %add3A_310 = arith.constant 4 : i32
        %add3A_311 = arith.addi %mul3A_309, %add3A_310 : i32
        %get3A_312 = arith.index_cast %add3A_311 : i32 to index
        %get3A_313 = arith.constant 0 : index
        %get3A_314 = tpu.vector_load %arg7[%get3A_312, %get3A_313] {strides = array<i32>} : memref<512x64xf32, #tpu.memory_space<vmem>>, vector<1x16xf32>,
        %get3A_315 = vector.shape_cast %get3A_314 : vector<1x16xf32> to vector<16xf32>
        %mul3A_316 = arith.constant 8.000000e+00 : f32
        %mul3A_317 = vector.broadcast %mul3A_316 : f32 to vector<16xf32>
        %mul3A_318 = arith.mulf %get3A_315, %mul3A_317 : vector<16xf32>
        %swap3A_319 = arith.index_cast %add3A_311 : i32 to index
        %swap3A_320 = arith.constant 0 : index
        %swap3A_321 = tpu.vector_load %arg7[%swap3A_319, %swap3A_320] {strides = array<i32>} : memref<512x64xf32, #tpu.memory_space<vmem>>, vector<1x16xf32>,
        %swap3A_322 = vector.shape_cast %swap3A_321 : vector<1x16xf32> to vector<16xf32>
        %swap3A_323 = vector.shape_cast %mul3A_318 : vector<16xf32> to vector<1x16xf32>
        tpu.vector_store %arg7[%swap3A_319, %swap3A_320], %swap3A_323 {strides = array<i32>} : memref<512x64xf32, #tpu.memory_space<vmem>>, vector<1x16xf32>,
        %get3A_324 = arith.index_cast %add3A_311 : i32 to index
        %get3A_325 = arith.constant 16 : index
        %get3A_326 = tpu.vector_load %arg7[%get3A_324, %get3A_325] {strides = array<i32>} : memref<512x64xf32, #tpu.memory_space<vmem>>, vector<1x16xf32>,
        %get3A_327 = vector.shape_cast %get3A_326 : vector<1x16xf32> to vector<16xf32>
        %mul3A_328 = arith.constant 8.000000e+00 : f32
        %mul3A_329 = vector.broadcast %mul3A_328 : f32 to vector<16xf32>
        %mul3A_330 = arith.mulf %get3A_327, %mul3A_329 : vector<16xf32>
        %swap3A_331 = arith.index_cast %add3A_311 : i32 to index
        %swap3A_332 = arith.constant 16 : index
        %swap3A_333 = tpu.vector_load %arg7[%swap3A_331, %swap3A_332] {strides = array<i32>} : memref<512x64xf32, #tpu.memory_space<vmem>>, vector<1x16xf32>,
        %swap3A_334 = vector.shape_cast %swap3A_333 : vector<1x16xf32> to vector<16xf32>
        %swap3A_335 = vector.shape_cast %mul3A_330 : vector<16xf32> to vector<1x16xf32>
        tpu.vector_store %arg7[%swap3A_331, %swap3A_332], %swap3A_335 {strides = array<i32>} : memref<512x64xf32, #tpu.memory_space<vmem>>, vector<1x16xf32>,
        %get3A_336 = arith.index_cast %add3A_311 : i32 to index
        %get3A_337 = arith.constant 32 : index
        %get3A_338 = tpu.vector_load %arg7[%get3A_336, %get3A_337] {strides = array<i32>} : memref<512x64xf32, #tpu.memory_space<vmem>>, vector<1x16xf32>,
        %get3A_339 = vector.shape_cast %get3A_338 : vector<1x16xf32> to vector<16xf32>
        %mul3A_340 = arith.constant 8.000000e+00 : f32
        %mul3A_341 = vector.broadcast %mul3A_340 : f32 to vector<16xf32>
        %mul3A_342 = arith.mulf %get3A_339, %mul3A_341 : vector<16xf32>
        %swap3A_343 = arith.index_cast %add3A_311 : i32 to index
        %swap3A_344 = arith.constant 32 : index
        %swap3A_345 = tpu.vector_load %arg7[%swap3A_343, %swap3A_344] {strides = array<i32>} : memref<512x64xf32, #tpu.memory_space<vmem>>, vector<1x16xf32>,
        %swap3A_346 = vector.shape_cast %swap3A_345 : vector<1x16xf32> to vector<16xf32>
        %swap3A_347 = vector.shape_cast %mul3A_342 : vector<16xf32> to vector<1x16xf32>
        tpu.vector_store %arg7[%swap3A_343, %swap3A_344], %swap3A_347 {strides = array<i32>} : memref<512x64xf32, #tpu.memory_space<vmem>>, vector<1x16xf32>,
        %get3A_348 = arith.index_cast %add3A_311 : i32 to index
        %get3A_349 = arith.constant 48 : index
        %get3A_350 = tpu.vector_load %arg7[%get3A_348, %get3A_349] {strides = array<i32>} : memref<512x64xf32, #tpu.memory_space<vmem>>, vector<1x16xf32>,
        %get3A_351 = vector.shape_cast %get3A_350 : vector<1x16xf32> to vector<16xf32>
        %mul3A_352 = arith.constant 8.000000e+00 : f32
        %mul3A_353 = vector.broadcast %mul3A_352 : f32 to vector<16xf32>
        %mul3A_354 = arith.mulf %get3A_351, %mul3A_353 : vector<16xf32>
        %swap3A_355 = arith.index_cast %add3A_311 : i32 to index
        %swap3A_356 = arith.constant 48 : index
        %swap3A_357 = tpu.vector_load %arg7[%swap3A_355, %swap3A_356] {strides = array<i32>} : memref<512x64xf32, #tpu.memory_space<vmem>>, vector<1x16xf32>,
        %swap3A_358 = vector.shape_cast %swap3A_357 : vector<1x16xf32> to vector<16xf32>
        %swap3A_359 = vector.shape_cast %mul3A_354 : vector<16xf32> to vector<1x16xf32>
        tpu.vector_store %arg7[%swap3A_355, %swap3A_356], %swap3A_359 {strides = array<i32>} : memref<512x64xf32, #tpu.memory_space<vmem>>, vector<1x16xf32>,
        %mul3A_360 = arith.constant 8 : i32
        %mul3A_361 = arith.muli %scan3A_100, %mul3A_360 : i32
        %add3A_362 = arith.constant 5 : i32
        %add3A_363 = arith.addi %mul3A_361, %add3A_362 : i32
        %get3A_364 = arith.index_cast %add3A_363 : i32 to index
        %get3A_365 = arith.constant 0 : index
        %get3A_366 = tpu.vector_load %arg7[%get3A_364, %get3A_365] {strides = array<i32>} : memref<512x64xf32, #tpu.memory_space<vmem>>, vector<1x16xf32>,
        %get3A_367 = vector.shape_cast %get3A_366 : vector<1x16xf32> to vector<16xf32>
        %mul3A_368 = arith.constant 8.000000e+00 : f32
        %mul3A_369 = vector.broadcast %mul3A_368 : f32 to vector<16xf32>
        %mul3A_370 = arith.mulf %get3A_367, %mul3A_369 : vector<16xf32>
        %swap3A_371 = arith.index_cast %add3A_363 : i32 to index
        %swap3A_372 = arith.constant 0 : index
        %swap3A_373 = tpu.vector_load %arg7[%swap3A_371, %swap3A_372] {strides = array<i32>} : memref<512x64xf32, #tpu.memory_space<vmem>>, vector<1x16xf32>,
        %swap3A_374 = vector.shape_cast %swap3A_373 : vector<1x16xf32> to vector<16xf32>
        %swap3A_375 = vector.shape_cast %mul3A_370 : vector<16xf32> to vector<1x16xf32>
        tpu.vector_store %arg7[%swap3A_371, %swap3A_372], %swap3A_375 {strides = array<i32>} : memref<512x64xf32, #tpu.memory_space<vmem>>, vector<1x16xf32>,
        %get3A_376 = arith.index_cast %add3A_363 : i32 to index
        %get3A_377 = arith.constant 16 : index
        %get3A_378 = tpu.vector_load %arg7[%get3A_376, %get3A_377] {strides = array<i32>} : memref<512x64xf32, #tpu.memory_space<vmem>>, vector<1x16xf32>,
        %get3A_379 = vector.shape_cast %get3A_378 : vector<1x16xf32> to vector<16xf32>
        %mul3A_380 = arith.constant 8.000000e+00 : f32
        %mul3A_381 = vector.broadcast %mul3A_380 : f32 to vector<16xf32>
        %mul3A_382 = arith.mulf %get3A_379, %mul3A_381 : vector<16xf32>
        %swap3A_383 = arith.index_cast %add3A_363 : i32 to index
        %swap3A_384 = arith.constant 16 : index
        %swap3A_385 = tpu.vector_load %arg7[%swap3A_383, %swap3A_384] {strides = array<i32>} : memref<512x64xf32, #tpu.memory_space<vmem>>, vector<1x16xf32>,
        %swap3A_386 = vector.shape_cast %swap3A_385 : vector<1x16xf32> to vector<16xf32>
        %swap3A_387 = vector.shape_cast %mul3A_382 : vector<16xf32> to vector<1x16xf32>
        tpu.vector_store %arg7[%swap3A_383, %swap3A_384], %swap3A_387 {strides = array<i32>} : memref<512x64xf32, #tpu.memory_space<vmem>>, vector<1x16xf32>,
        %get3A_388 = arith.index_cast %add3A_363 : i32 to index
        %get3A_389 = arith.constant 32 : index
        %get3A_390 = tpu.vector_load %arg7[%get3A_388, %get3A_389] {strides = array<i32>} : memref<512x64xf32, #tpu.memory_space<vmem>>, vector<1x16xf32>,
        %get3A_391 = vector.shape_cast %get3A_390 : vector<1x16xf32> to vector<16xf32>
        %mul3A_392 = arith.constant 8.000000e+00 : f32
        %mul3A_393 = vector.broadcast %mul3A_392 : f32 to vector<16xf32>
        %mul3A_394 = arith.mulf %get3A_391, %mul3A_393 : vector<16xf32>
        %swap3A_395 = arith.index_cast %add3A_363 : i32 to index
        %swap3A_396 = arith.constant 32 : index
        %swap3A_397 = tpu.vector_load %arg7[%swap3A_395, %swap3A_396] {strides = array<i32>} : memref<512x64xf32, #tpu.memory_space<vmem>>, vector<1x16xf32>,
        %swap3A_398 = vector.shape_cast %swap3A_397 : vector<1x16xf32> to vector<16xf32>
        %swap3A_399 = vector.shape_cast %mul3A_394 : vector<16xf32> to vector<1x16xf32>
        tpu.vector_store %arg7[%swap3A_395, %swap3A_396], %swap3A_399 {strides = array<i32>} : memref<512x64xf32, #tpu.memory_space<vmem>>, vector<1x16xf32>,
        %get3A_400 = arith.index_cast %add3A_363 : i32 to index
        %get3A_401 = arith.constant 48 : index
        %get3A_402 = tpu.vector_load %arg7[%get3A_400, %get3A_401] {strides = array<i32>} : memref<512x64xf32, #tpu.memory_space<vmem>>, vector<1x16xf32>,
        %get3A_403 = vector.shape_cast %get3A_402 : vector<1x16xf32> to vector<16xf32>
        %mul3A_404 = arith.constant 8.000000e+00 : f32
        %mul3A_405 = vector.broadcast %mul3A_404 : f32 to vector<16xf32>
        %mul3A_406 = arith.mulf %get3A_403, %mul3A_405 : vector<16xf32>
        %swap3A_407 = arith.index_cast %add3A_363 : i32 to index
        %swap3A_408 = arith.constant 48 : index
        %swap3A_409 = tpu.vector_load %arg7[%swap3A_407, %swap3A_408] {strides = array<i32>} : memref<512x64xf32, #tpu.memory_space<vmem>>, vector<1x16xf32>,
        %swap3A_410 = vector.shape_cast %swap3A_409 : vector<1x16xf32> to vector<16xf32>
        %swap3A_411 = vector.shape_cast %mul3A_406 : vector<16xf32> to vector<1x16xf32>
        tpu.vector_store %arg7[%swap3A_407, %swap3A_408], %swap3A_411 {strides = array<i32>} : memref<512x64xf32, #tpu.memory_space<vmem>>, vector<1x16xf32>,
        %mul3A_412 = arith.constant 8 : i32
        %mul3A_413 = arith.muli %scan3A_100, %mul3A_412 : i32
        %add3A_414 = arith.constant 6 : i32
        %add3A_415 = arith.addi %mul3A_413, %add3A_414 : i32
        %get3A_416 = arith.index_cast %add3A_415 : i32 to index
        %get3A_417 = arith.constant 0 : index
        %get3A_418 = tpu.vector_load %arg7[%get3A_416, %get3A_417] {strides = array<i32>} : memref<512x64xf32, #tpu.memory_space<vmem>>, vector<1x16xf32>,
        %get3A_419 = vector.shape_cast %get3A_418 : vector<1x16xf32> to vector<16xf32>
        %mul3A_420 = arith.constant 8.000000e+00 : f32
        %mul3A_421 = vector.broadcast %mul3A_420 : f32 to vector<16xf32>
        %mul3A_422 = arith.mulf %get3A_419, %mul3A_421 : vector<16xf32>
        %swap3A_423 = arith.index_cast %add3A_415 : i32 to index
        %swap3A_424 = arith.constant 0 : index
        %swap3A_425 = tpu.vector_load %arg7[%swap3A_423, %swap3A_424] {strides = array<i32>} : memref<512x64xf32, #tpu.memory_space<vmem>>, vector<1x16xf32>,
        %swap3A_426 = vector.shape_cast %swap3A_425 : vector<1x16xf32> to vector<16xf32>
        %swap3A_427 = vector.shape_cast %mul3A_422 : vector<16xf32> to vector<1x16xf32>
        tpu.vector_store %arg7[%swap3A_423, %swap3A_424], %swap3A_427 {strides = array<i32>} : memref<512x64xf32, #tpu.memory_space<vmem>>, vector<1x16xf32>,
        %get3A_428 = arith.index_cast %add3A_415 : i32 to index
        %get3A_429 = arith.constant 16 : index
        %get3A_430 = tpu.vector_load %arg7[%get3A_428, %get3A_429] {strides = array<i32>} : memref<512x64xf32, #tpu.memory_space<vmem>>, vector<1x16xf32>,
        %get3A_431 = vector.shape_cast %get3A_430 : vector<1x16xf32> to vector<16xf32>
        %mul3A_432 = arith.constant 8.000000e+00 : f32
        %mul3A_433 = vector.broadcast %mul3A_432 : f32 to vector<16xf32>
        %mul3A_434 = arith.mulf %get3A_431, %mul3A_433 : vector<16xf32>
        %swap3A_435 = arith.index_cast %add3A_415 : i32 to index
        %swap3A_436 = arith.constant 16 : index
        %swap3A_437 = tpu.vector_load %arg7[%swap3A_435, %swap3A_436] {strides = array<i32>} : memref<512x64xf32, #tpu.memory_space<vmem>>, vector<1x16xf32>,
        %swap3A_438 = vector.shape_cast %swap3A_437 : vector<1x16xf32> to vector<16xf32>
        %swap3A_439 = vector.shape_cast %mul3A_434 : vector<16xf32> to vector<1x16xf32>
        tpu.vector_store %arg7[%swap3A_435, %swap3A_436], %swap3A_439 {strides = array<i32>} : memref<512x64xf32, #tpu.memory_space<vmem>>, vector<1x16xf32>,
        %get3A_440 = arith.index_cast %add3A_415 : i32 to index
        %get3A_441 = arith.constant 32 : index
        %get3A_442 = tpu.vector_load %arg7[%get3A_440, %get3A_441] {strides = array<i32>} : memref<512x64xf32, #tpu.memory_space<vmem>>, vector<1x16xf32>,
        %get3A_443 = vector.shape_cast %get3A_442 : vector<1x16xf32> to vector<16xf32>
        %mul3A_444 = arith.constant 8.000000e+00 : f32
        %mul3A_445 = vector.broadcast %mul3A_444 : f32 to vector<16xf32>
        %mul3A_446 = arith.mulf %get3A_443, %mul3A_445 : vector<16xf32>
        %swap3A_447 = arith.index_cast %add3A_415 : i32 to index
        %swap3A_448 = arith.constant 32 : index
        %swap3A_449 = tpu.vector_load %arg7[%swap3A_447, %swap3A_448] {strides = array<i32>} : memref<512x64xf32, #tpu.memory_space<vmem>>, vector<1x16xf32>,
        %swap3A_450 = vector.shape_cast %swap3A_449 : vector<1x16xf32> to vector<16xf32>
        %swap3A_451 = vector.shape_cast %mul3A_446 : vector<16xf32> to vector<1x16xf32>
        tpu.vector_store %arg7[%swap3A_447, %swap3A_448], %swap3A_451 {strides = array<i32>} : memref<512x64xf32, #tpu.memory_space<vmem>>, vector<1x16xf32>,
        %get3A_452 = arith.index_cast %add3A_415 : i32 to index
        %get3A_453 = arith.constant 48 : index
        %get3A_454 = tpu.vector_load %arg7[%get3A_452, %get3A_453] {strides = array<i32>} : memref<512x64xf32, #tpu.memory_space<vmem>>, vector<1x16xf32>,
        %get3A_455 = vector.shape_cast %get3A_454 : vector<1x16xf32> to vector<16xf32>
        %mul3A_456 = arith.constant 8.000000e+00 : f32
        %mul3A_457 = vector.broadcast %mul3A_456 : f32 to vector<16xf32>
        %mul3A_458 = arith.mulf %get3A_455, %mul3A_457 : vector<16xf32>
        %swap3A_459 = arith.index_cast %add3A_415 : i32 to index
        %swap3A_460 = arith.constant 48 : index
        %swap3A_461 = tpu.vector_load %arg7[%swap3A_459, %swap3A_460] {strides = array<i32>} : memref<512x64xf32, #tpu.memory_space<vmem>>, vector<1x16xf32>,
        %swap3A_462 = vector.shape_cast %swap3A_461 : vector<1x16xf32> to vector<16xf32>
        %swap3A_463 = vector.shape_cast %mul3A_458 : vector<16xf32> to vector<1x16xf32>
        tpu.vector_store %arg7[%swap3A_459, %swap3A_460], %swap3A_463 {strides = array<i32>} : memref<512x64xf32, #tpu.memory_space<vmem>>, vector<1x16xf32>,
        %mul3A_464 = arith.constant 8 : i32
        %mul3A_465 = arith.muli %scan3A_100, %mul3A_464 : i32
        %add3A_466 = arith.constant 7 : i32
        %add3A_467 = arith.addi %mul3A_465, %add3A_466 : i32
        %get3A_468 = arith.index_cast %add3A_467 : i32 to index
        %get3A_469 = arith.constant 0 : index
        %get3A_470 = tpu.vector_load %arg7[%get3A_468, %get3A_469] {strides = array<i32>} : memref<512x64xf32, #tpu.memory_space<vmem>>, vector<1x16xf32>,
        %get3A_471 = vector.shape_cast %get3A_470 : vector<1x16xf32> to vector<16xf32>
        %mul3A_472 = arith.constant 8.000000e+00 : f32
        %mul3A_473 = vector.broadcast %mul3A_472 : f32 to vector<16xf32>
        %mul3A_474 = arith.mulf %get3A_471, %mul3A_473 : vector<16xf32>
        %swap3A_475 = arith.index_cast %add3A_467 : i32 to index
        %swap3A_476 = arith.constant 0 : index
        %swap3A_477 = tpu.vector_load %arg7[%swap3A_475, %swap3A_476] {strides = array<i32>} : memref<512x64xf32, #tpu.memory_space<vmem>>, vector<1x16xf32>,
        %swap3A_478 = vector.shape_cast %swap3A_477 : vector<1x16xf32> to vector<16xf32>
        %swap3A_479 = vector.shape_cast %mul3A_474 : vector<16xf32> to vector<1x16xf32>
        tpu.vector_store %arg7[%swap3A_475, %swap3A_476], %swap3A_479 {strides = array<i32>} : memref<512x64xf32, #tpu.memory_space<vmem>>, vector<1x16xf32>,
        %get3A_480 = arith.index_cast %add3A_467 : i32 to index
        %get3A_481 = arith.constant 16 : index
        %get3A_482 = tpu.vector_load %arg7[%get3A_480, %get3A_481] {strides = array<i32>} : memref<512x64xf32, #tpu.memory_space<vmem>>, vector<1x16xf32>,
        %get3A_483 = vector.shape_cast %get3A_482 : vector<1x16xf32> to vector<16xf32>
        %mul3A_484 = arith.constant 8.000000e+00 : f32
        %mul3A_485 = vector.broadcast %mul3A_484 : f32 to vector<16xf32>
        %mul3A_486 = arith.mulf %get3A_483, %mul3A_485 : vector<16xf32>
        %swap3A_487 = arith.index_cast %add3A_467 : i32 to index
        %swap3A_488 = arith.constant 16 : index
        %swap3A_489 = tpu.vector_load %arg7[%swap3A_487, %swap3A_488] {strides = array<i32>} : memref<512x64xf32, #tpu.memory_space<vmem>>, vector<1x16xf32>,
        %swap3A_490 = vector.shape_cast %swap3A_489 : vector<1x16xf32> to vector<16xf32>
        %swap3A_491 = vector.shape_cast %mul3A_486 : vector<16xf32> to vector<1x16xf32>
        tpu.vector_store %arg7[%swap3A_487, %swap3A_488], %swap3A_491 {strides = array<i32>} : memref<512x64xf32, #tpu.memory_space<vmem>>, vector<1x16xf32>,
        %get3A_492 = arith.index_cast %add3A_467 : i32 to index
        %get3A_493 = arith.constant 32 : index
        %get3A_494 = tpu.vector_load %arg7[%get3A_492, %get3A_493] {strides = array<i32>} : memref<512x64xf32, #tpu.memory_space<vmem>>, vector<1x16xf32>,
        %get3A_495 = vector.shape_cast %get3A_494 : vector<1x16xf32> to vector<16xf32>
        %mul3A_496 = arith.constant 8.000000e+00 : f32
        %mul3A_497 = vector.broadcast %mul3A_496 : f32 to vector<16xf32>
        %mul3A_498 = arith.mulf %get3A_495, %mul3A_497 : vector<16xf32>
        %swap3A_499 = arith.index_cast %add3A_467 : i32 to index
        %swap3A_500 = arith.constant 32 : index
        %swap3A_501 = tpu.vector_load %arg7[%swap3A_499, %swap3A_500] {strides = array<i32>} : memref<512x64xf32, #tpu.memory_space<vmem>>, vector<1x16xf32>,
        %swap3A_502 = vector.shape_cast %swap3A_501 : vector<1x16xf32> to vector<16xf32>
        %swap3A_503 = vector.shape_cast %mul3A_498 : vector<16xf32> to vector<1x16xf32>
        tpu.vector_store %arg7[%swap3A_499, %swap3A_500], %swap3A_503 {strides = array<i32>} : memref<512x64xf32, #tpu.memory_space<vmem>>, vector<1x16xf32>,
        %get3A_504 = arith.index_cast %add3A_467 : i32 to index
        %get3A_505 = arith.constant 48 : index
        %get3A_506 = tpu.vector_load %arg7[%get3A_504, %get3A_505] {strides = array<i32>} : memref<512x64xf32, #tpu.memory_space<vmem>>, vector<1x16xf32>,
        %get3A_507 = vector.shape_cast %get3A_506 : vector<1x16xf32> to vector<16xf32>
        %mul3A_508 = arith.constant 8.000000e+00 : f32
        %mul3A_509 = vector.broadcast %mul3A_508 : f32 to vector<16xf32>
        %mul3A_510 = arith.mulf %get3A_507, %mul3A_509 : vector<16xf32>
        %swap3A_511 = arith.index_cast %add3A_467 : i32 to index
        %swap3A_512 = arith.constant 48 : index
        %swap3A_513 = tpu.vector_load %arg7[%swap3A_511, %swap3A_512] {strides = array<i32>} : memref<512x64xf32, #tpu.memory_space<vmem>>, vector<1x16xf32>,
        %swap3A_514 = vector.shape_cast %swap3A_513 : vector<1x16xf32> to vector<16xf32>
        %swap3A_515 = vector.shape_cast %mul3A_510 : vector<16xf32> to vector<1x16xf32>
        tpu.vector_store %arg7[%swap3A_511, %swap3A_512], %swap3A_515 {strides = array<i32>} : memref<512x64xf32, #tpu.memory_space<vmem>>, vector<1x16xf32>,
        %scan3A_516 = arith.constant 0 : i32
        scf.yield %scan3A_516 : i32
      }
      %scan3A_62 = arith.constant 64 : i32
      %mul3A_63 = arith.constant 512 : i32
      %mul3A_64 = arith.muli %add3A_45, %mul3A_63 : i32
      %add3A_65 = arith.addi %mul3A_2, %mul3A_64 : i32
      %dma_start3A_66 = arith.constant 0 : i32
      %dma_start3A_67 = tpu.memref_slice %arg4[%add3A_65, %dma_start3A_66] : memref<819200x64xf32, #tpu.memory_space<hbm>> -> memref<512x64xf32, #tpu.memory_space<hbm>>
      %dma_start3A_68 = arith.constant 0 : i32
      %dma_start3A_69 = tpu.memref_slice %arg4[%add3A_65, %dma_start3A_68] : memref<819200x64xf32, #tpu.memory_space<hbm>> -> memref<512x64xf32, #tpu.memory_space<hbm>>
      tpu.enqueue_dma source(%arg7 : memref<512x64xf32, #tpu.memory_space<vmem>>) target(%dma_start3A_69 : memref<512x64xf32, #tpu.memory_space<hbm>>) target_semaphore(%arg13 : memref<!tpu.dma_semaphore, #tpu.memory_space<semaphore_mem>>)
      %mul3A_70 = arith.constant 2 : i32
      %mul3A_71 = arith.muli %scan3A_23, %mul3A_70 : i32
      %add3A_72 = arith.constant 1 : i32
      %add3A_73 = arith.addi %mul3A_71, %add3A_72 : i32
      %dma_wait3A_74 = arith.constant 0 : i32
      %dma_wait3A_75 = arith.constant 0 : i32
      %dma_wait3A_76 = tpu.memref_slice %arg3[%dma_wait3A_74, %dma_wait3A_75] : memref<1000000x64xf32, #tpu.memory_space<hbm>> -> memref<512x64xf32, #tpu.memory_space<hbm>>
      %dma_wait3A_77 = arith.constant 0 : i32
      %dma_wait3A_78 = arith.constant 0 : i32
      %dma_wait3A_79 = tpu.memref_slice %arg3[%dma_wait3A_77, %dma_wait3A_78] : memref<1000000x64xf32, #tpu.memory_space<hbm>> -> memref<512x64xf32, #tpu.memory_space<hbm>>
      tpu.wait_dma2 semaphore(%arg12 : memref<!tpu.dma_semaphore, #tpu.memory_space<semaphore_mem>>) src(%dma_wait3A_79 : memref<512x64xf32, #tpu.memory_space<hbm>>) dst(%arg8 : memref<512x64xf32, #tpu.memory_space<vmem>>)
      %lt3A_80 = arith.constant 24 : i32
      %lt3A_81 = arith.cmpi slt, %scan3A_23, %lt3A_80 : i32
      %convert_element_type3A_82 = arith.extui %lt3A_81 : i1 to i32
      %cond3A_83 = arith.constant 0 : i32
      %cond3A_84 = arith.cmpi ne, %convert_element_type3A_82, %cond3A_83 : i32
      scf.if %cond3A_84 {
        %add3A_100 = arith.constant 2 : i32
        %add3A_101 = arith.addi %add3A_73, %add3A_100 : i32
        %mul3A_102 = arith.constant 512 : i32
        %mul3A_103 = arith.muli %add3A_101, %mul3A_102 : i32
        %add3A_104 = arith.addi %mul3A_2, %mul3A_103 : i32
        %dma_start3A_105 = tpu.memref_slice %arg2[%add3A_104] : memref<819200xi32, #tpu.memory_space<hbm>> -> memref<512xi32, #tpu.memory_space<hbm>>
        %dma_start3A_106 = tpu.memref_slice %arg2[%add3A_104] : memref<819200xi32, #tpu.memory_space<hbm>> -> memref<512xi32, #tpu.memory_space<hbm>>
        tpu.enqueue_dma source(%dma_start3A_106 : memref<512xi32, #tpu.memory_space<hbm>>) target(%arg6 : memref<512xi32, #tpu.memory_space<vmem>>) target_semaphore(%arg10 : memref<!tpu.dma_semaphore, #tpu.memory_space<semaphore_mem>>)
      } else {
      }
      %scan3A_85 = arith.constant 0 : i32
      %scan3A_86 = arith.constant 0 : i32
      %scan3A_87 = arith.constant 64 : i32
      %scan3A_88 = arith.addi %scan3A_86, %scan3A_87 : i32
      %scan3A_89 = arith.constant 1 : i32
      %scan3A_90 = scf.for %scan3A_100 = %scan3A_86 to %scan3A_88 step %scan3A_89 iter_args(%scan3A_101 = %scan3A_85) -> (i32)  : i32 {
        %mul3A_102 = arith.constant 8 : i32
        %mul3A_103 = arith.muli %scan3A_100, %mul3A_102 : i32
        %add3A_104 = arith.constant 0 : i32
        %add3A_105 = arith.addi %mul3A_103, %add3A_104 : i32
        %get3A = arith.index_cast %add3A_105 : i32 to index
        %get3A_106 = arith.constant 0 : index
        %get3A_107 = tpu.vector_load %arg8[%get3A, %get3A_106] {strides = array<i32>} : memref<512x64xf32, #tpu.memory_space<vmem>>, vector<1x16xf32>,
        %get3A_108 = vector.shape_cast %get3A_107 : vector<1x16xf32> to vector<16xf32>
        %mul3A_109 = arith.constant 8.000000e+00 : f32
        %mul3A_110 = vector.broadcast %mul3A_109 : f32 to vector<16xf32>
        %mul3A_111 = arith.mulf %get3A_108, %mul3A_110 : vector<16xf32>
        %swap3A = arith.index_cast %add3A_105 : i32 to index
        %swap3A_112 = arith.constant 0 : index
        %swap3A_113 = tpu.vector_load %arg8[%swap3A, %swap3A_112] {strides = array<i32>} : memref<512x64xf32, #tpu.memory_space<vmem>>, vector<1x16xf32>,
        %swap3A_114 = vector.shape_cast %swap3A_113 : vector<1x16xf32> to vector<16xf32>
        %swap3A_115 = vector.shape_cast %mul3A_111 : vector<16xf32> to vector<1x16xf32>
        tpu.vector_store %arg8[%swap3A, %swap3A_112], %swap3A_115 {strides = array<i32>} : memref<512x64xf32, #tpu.memory_space<vmem>>, vector<1x16xf32>,
        %get3A_116 = arith.index_cast %add3A_105 : i32 to index
        %get3A_117 = arith.constant 16 : index
        %get3A_118 = tpu.vector_load %arg8[%get3A_116, %get3A_117] {strides = array<i32>} : memref<512x64xf32, #tpu.memory_space<vmem>>, vector<1x16xf32>,
        %get3A_119 = vector.shape_cast %get3A_118 : vector<1x16xf32> to vector<16xf32>
        %mul3A_120 = arith.constant 8.000000e+00 : f32
        %mul3A_121 = vector.broadcast %mul3A_120 : f32 to vector<16xf32>
        %mul3A_122 = arith.mulf %get3A_119, %mul3A_121 : vector<16xf32>
        %swap3A_123 = arith.index_cast %add3A_105 : i32 to index
        %swap3A_124 = arith.constant 16 : index
        %swap3A_125 = tpu.vector_load %arg8[%swap3A_123, %swap3A_124] {strides = array<i32>} : memref<512x64xf32, #tpu.memory_space<vmem>>, vector<1x16xf32>,
        %swap3A_126 = vector.shape_cast %swap3A_125 : vector<1x16xf32> to vector<16xf32>
        %swap3A_127 = vector.shape_cast %mul3A_122 : vector<16xf32> to vector<1x16xf32>
        tpu.vector_store %arg8[%swap3A_123, %swap3A_124], %swap3A_127 {strides = array<i32>} : memref<512x64xf32, #tpu.memory_space<vmem>>, vector<1x16xf32>,
        %get3A_128 = arith.index_cast %add3A_105 : i32 to index
        %get3A_129 = arith.constant 32 : index
        %get3A_130 = tpu.vector_load %arg8[%get3A_128, %get3A_129] {strides = array<i32>} : memref<512x64xf32, #tpu.memory_space<vmem>>, vector<1x16xf32>,
        %get3A_131 = vector.shape_cast %get3A_130 : vector<1x16xf32> to vector<16xf32>
        %mul3A_132 = arith.constant 8.000000e+00 : f32
        %mul3A_133 = vector.broadcast %mul3A_132 : f32 to vector<16xf32>
        %mul3A_134 = arith.mulf %get3A_131, %mul3A_133 : vector<16xf32>
        %swap3A_135 = arith.index_cast %add3A_105 : i32 to index
        %swap3A_136 = arith.constant 32 : index
        %swap3A_137 = tpu.vector_load %arg8[%swap3A_135, %swap3A_136] {strides = array<i32>} : memref<512x64xf32, #tpu.memory_space<vmem>>, vector<1x16xf32>,
        %swap3A_138 = vector.shape_cast %swap3A_137 : vector<1x16xf32> to vector<16xf32>
        %swap3A_139 = vector.shape_cast %mul3A_134 : vector<16xf32> to vector<1x16xf32>
        tpu.vector_store %arg8[%swap3A_135, %swap3A_136], %swap3A_139 {strides = array<i32>} : memref<512x64xf32, #tpu.memory_space<vmem>>, vector<1x16xf32>,
        %get3A_140 = arith.index_cast %add3A_105 : i32 to index
        %get3A_141 = arith.constant 48 : index
        %get3A_142 = tpu.vector_load %arg8[%get3A_140, %get3A_141] {strides = array<i32>} : memref<512x64xf32, #tpu.memory_space<vmem>>, vector<1x16xf32>,
        %get3A_143 = vector.shape_cast %get3A_142 : vector<1x16xf32> to vector<16xf32>
        %mul3A_144 = arith.constant 8.000000e+00 : f32
        %mul3A_145 = vector.broadcast %mul3A_144 : f32 to vector<16xf32>
        %mul3A_146 = arith.mulf %get3A_143, %mul3A_145 : vector<16xf32>
        %swap3A_147 = arith.index_cast %add3A_105 : i32 to index
        %swap3A_148 = arith.constant 48 : index
        %swap3A_149 = tpu.vector_load %arg8[%swap3A_147, %swap3A_148] {strides = array<i32>} : memref<512x64xf32, #tpu.memory_space<vmem>>, vector<1x16xf32>,
        %swap3A_150 = vector.shape_cast %swap3A_149 : vector<1x16xf32> to vector<16xf32>
        %swap3A_151 = vector.shape_cast %mul3A_146 : vector<16xf32> to vector<1x16xf32>
        tpu.vector_store %arg8[%swap3A_147, %swap3A_148], %swap3A_151 {strides = array<i32>} : memref<512x64xf32, #tpu.memory_space<vmem>>, vector<1x16xf32>,
        %mul3A_152 = arith.constant 8 : i32
        %mul3A_153 = arith.muli %scan3A_100, %mul3A_152 : i32
        %add3A_154 = arith.constant 1 : i32
        %add3A_155 = arith.addi %mul3A_153, %add3A_154 : i32
        %get3A_156 = arith.index_cast %add3A_155 : i32 to index
        %get3A_157 = arith.constant 0 : index
        %get3A_158 = tpu.vector_load %arg8[%get3A_156, %get3A_157] {strides = array<i32>} : memref<512x64xf32, #tpu.memory_space<vmem>>, vector<1x16xf32>,
        %get3A_159 = vector.shape_cast %get3A_158 : vector<1x16xf32> to vector<16xf32>
        %mul3A_160 = arith.constant 8.000000e+00 : f32
        %mul3A_161 = vector.broadcast %mul3A_160 : f32 to vector<16xf32>
        %mul3A_162 = arith.mulf %get3A_159, %mul3A_161 : vector<16xf32>
        %swap3A_163 = arith.index_cast %add3A_155 : i32 to index
        %swap3A_164 = arith.constant 0 : index
        %swap3A_165 = tpu.vector_load %arg8[%swap3A_163, %swap3A_164] {strides = array<i32>} : memref<512x64xf32, #tpu.memory_space<vmem>>, vector<1x16xf32>,
        %swap3A_166 = vector.shape_cast %swap3A_165 : vector<1x16xf32> to vector<16xf32>
        %swap3A_167 = vector.shape_cast %mul3A_162 : vector<16xf32> to vector<1x16xf32>
        tpu.vector_store %arg8[%swap3A_163, %swap3A_164], %swap3A_167 {strides = array<i32>} : memref<512x64xf32, #tpu.memory_space<vmem>>, vector<1x16xf32>,
        %get3A_168 = arith.index_cast %add3A_155 : i32 to index
        %get3A_169 = arith.constant 16 : index
        %get3A_170 = tpu.vector_load %arg8[%get3A_168, %get3A_169] {strides = array<i32>} : memref<512x64xf32, #tpu.memory_space<vmem>>, vector<1x16xf32>,
        %get3A_171 = vector.shape_cast %get3A_170 : vector<1x16xf32> to vector<16xf32>
        %mul3A_172 = arith.constant 8.000000e+00 : f32
        %mul3A_173 = vector.broadcast %mul3A_172 : f32 to vector<16xf32>
        %mul3A_174 = arith.mulf %get3A_171, %mul3A_173 : vector<16xf32>
        %swap3A_175 = arith.index_cast %add3A_155 : i32 to index
        %swap3A_176 = arith.constant 16 : index
        %swap3A_177 = tpu.vector_load %arg8[%swap3A_175, %swap3A_176] {strides = array<i32>} : memref<512x64xf32, #tpu.memory_space<vmem>>, vector<1x16xf32>,
        %swap3A_178 = vector.shape_cast %swap3A_177 : vector<1x16xf32> to vector<16xf32>
        %swap3A_179 = vector.shape_cast %mul3A_174 : vector<16xf32> to vector<1x16xf32>
        tpu.vector_store %arg8[%swap3A_175, %swap3A_176], %swap3A_179 {strides = array<i32>} : memref<512x64xf32, #tpu.memory_space<vmem>>, vector<1x16xf32>,
        %get3A_180 = arith.index_cast %add3A_155 : i32 to index
        %get3A_181 = arith.constant 32 : index
        %get3A_182 = tpu.vector_load %arg8[%get3A_180, %get3A_181] {strides = array<i32>} : memref<512x64xf32, #tpu.memory_space<vmem>>, vector<1x16xf32>,
        %get3A_183 = vector.shape_cast %get3A_182 : vector<1x16xf32> to vector<16xf32>
        %mul3A_184 = arith.constant 8.000000e+00 : f32
        %mul3A_185 = vector.broadcast %mul3A_184 : f32 to vector<16xf32>
        %mul3A_186 = arith.mulf %get3A_183, %mul3A_185 : vector<16xf32>
        %swap3A_187 = arith.index_cast %add3A_155 : i32 to index
        %swap3A_188 = arith.constant 32 : index
        %swap3A_189 = tpu.vector_load %arg8[%swap3A_187, %swap3A_188] {strides = array<i32>} : memref<512x64xf32, #tpu.memory_space<vmem>>, vector<1x16xf32>,
        %swap3A_190 = vector.shape_cast %swap3A_189 : vector<1x16xf32> to vector<16xf32>
        %swap3A_191 = vector.shape_cast %mul3A_186 : vector<16xf32> to vector<1x16xf32>
        tpu.vector_store %arg8[%swap3A_187, %swap3A_188], %swap3A_191 {strides = array<i32>} : memref<512x64xf32, #tpu.memory_space<vmem>>, vector<1x16xf32>,
        %get3A_192 = arith.index_cast %add3A_155 : i32 to index
        %get3A_193 = arith.constant 48 : index
        %get3A_194 = tpu.vector_load %arg8[%get3A_192, %get3A_193] {strides = array<i32>} : memref<512x64xf32, #tpu.memory_space<vmem>>, vector<1x16xf32>,
        %get3A_195 = vector.shape_cast %get3A_194 : vector<1x16xf32> to vector<16xf32>
        %mul3A_196 = arith.constant 8.000000e+00 : f32
        %mul3A_197 = vector.broadcast %mul3A_196 : f32 to vector<16xf32>
        %mul3A_198 = arith.mulf %get3A_195, %mul3A_197 : vector<16xf32>
        %swap3A_199 = arith.index_cast %add3A_155 : i32 to index
        %swap3A_200 = arith.constant 48 : index
        %swap3A_201 = tpu.vector_load %arg8[%swap3A_199, %swap3A_200] {strides = array<i32>} : memref<512x64xf32, #tpu.memory_space<vmem>>, vector<1x16xf32>,
        %swap3A_202 = vector.shape_cast %swap3A_201 : vector<1x16xf32> to vector<16xf32>
        %swap3A_203 = vector.shape_cast %mul3A_198 : vector<16xf32> to vector<1x16xf32>
        tpu.vector_store %arg8[%swap3A_199, %swap3A_200], %swap3A_203 {strides = array<i32>} : memref<512x64xf32, #tpu.memory_space<vmem>>, vector<1x16xf32>,
        %mul3A_204 = arith.constant 8 : i32
        %mul3A_205 = arith.muli %scan3A_100, %mul3A_204 : i32
        %add3A_206 = arith.constant 2 : i32
        %add3A_207 = arith.addi %mul3A_205, %add3A_206 : i32
        %get3A_208 = arith.index_cast %add3A_207 : i32 to index
        %get3A_209 = arith.constant 0 : index
        %get3A_210 = tpu.vector_load %arg8[%get3A_208, %get3A_209] {strides = array<i32>} : memref<512x64xf32, #tpu.memory_space<vmem>>, vector<1x16xf32>,
        %get3A_211 = vector.shape_cast %get3A_210 : vector<1x16xf32> to vector<16xf32>
        %mul3A_212 = arith.constant 8.000000e+00 : f32
        %mul3A_213 = vector.broadcast %mul3A_212 : f32 to vector<16xf32>
        %mul3A_214 = arith.mulf %get3A_211, %mul3A_213 : vector<16xf32>
        %swap3A_215 = arith.index_cast %add3A_207 : i32 to index
        %swap3A_216 = arith.constant 0 : index
        %swap3A_217 = tpu.vector_load %arg8[%swap3A_215, %swap3A_216] {strides = array<i32>} : memref<512x64xf32, #tpu.memory_space<vmem>>, vector<1x16xf32>,
        %swap3A_218 = vector.shape_cast %swap3A_217 : vector<1x16xf32> to vector<16xf32>
        %swap3A_219 = vector.shape_cast %mul3A_214 : vector<16xf32> to vector<1x16xf32>
        tpu.vector_store %arg8[%swap3A_215, %swap3A_216], %swap3A_219 {strides = array<i32>} : memref<512x64xf32, #tpu.memory_space<vmem>>, vector<1x16xf32>,
        %get3A_220 = arith.index_cast %add3A_207 : i32 to index
        %get3A_221 = arith.constant 16 : index
        %get3A_222 = tpu.vector_load %arg8[%get3A_220, %get3A_221] {strides = array<i32>} : memref<512x64xf32, #tpu.memory_space<vmem>>, vector<1x16xf32>,
        %get3A_223 = vector.shape_cast %get3A_222 : vector<1x16xf32> to vector<16xf32>
        %mul3A_224 = arith.constant 8.000000e+00 : f32
        %mul3A_225 = vector.broadcast %mul3A_224 : f32 to vector<16xf32>
        %mul3A_226 = arith.mulf %get3A_223, %mul3A_225 : vector<16xf32>
        %swap3A_227 = arith.index_cast %add3A_207 : i32 to index
        %swap3A_228 = arith.constant 16 : index
        %swap3A_229 = tpu.vector_load %arg8[%swap3A_227, %swap3A_228] {strides = array<i32>} : memref<512x64xf32, #tpu.memory_space<vmem>>, vector<1x16xf32>,
        %swap3A_230 = vector.shape_cast %swap3A_229 : vector<1x16xf32> to vector<16xf32>
        %swap3A_231 = vector.shape_cast %mul3A_226 : vector<16xf32> to vector<1x16xf32>
        tpu.vector_store %arg8[%swap3A_227, %swap3A_228], %swap3A_231 {strides = array<i32>} : memref<512x64xf32, #tpu.memory_space<vmem>>, vector<1x16xf32>,
        %get3A_232 = arith.index_cast %add3A_207 : i32 to index
        %get3A_233 = arith.constant 32 : index
        %get3A_234 = tpu.vector_load %arg8[%get3A_232, %get3A_233] {strides = array<i32>} : memref<512x64xf32, #tpu.memory_space<vmem>>, vector<1x16xf32>,
        %get3A_235 = vector.shape_cast %get3A_234 : vector<1x16xf32> to vector<16xf32>
        %mul3A_236 = arith.constant 8.000000e+00 : f32
        %mul3A_237 = vector.broadcast %mul3A_236 : f32 to vector<16xf32>
        %mul3A_238 = arith.mulf %get3A_235, %mul3A_237 : vector<16xf32>
        %swap3A_239 = arith.index_cast %add3A_207 : i32 to index
        %swap3A_240 = arith.constant 32 : index
        %swap3A_241 = tpu.vector_load %arg8[%swap3A_239, %swap3A_240] {strides = array<i32>} : memref<512x64xf32, #tpu.memory_space<vmem>>, vector<1x16xf32>,
        %swap3A_242 = vector.shape_cast %swap3A_241 : vector<1x16xf32> to vector<16xf32>
        %swap3A_243 = vector.shape_cast %mul3A_238 : vector<16xf32> to vector<1x16xf32>
        tpu.vector_store %arg8[%swap3A_239, %swap3A_240], %swap3A_243 {strides = array<i32>} : memref<512x64xf32, #tpu.memory_space<vmem>>, vector<1x16xf32>,
        %get3A_244 = arith.index_cast %add3A_207 : i32 to index
        %get3A_245 = arith.constant 48 : index
        %get3A_246 = tpu.vector_load %arg8[%get3A_244, %get3A_245] {strides = array<i32>} : memref<512x64xf32, #tpu.memory_space<vmem>>, vector<1x16xf32>,
        %get3A_247 = vector.shape_cast %get3A_246 : vector<1x16xf32> to vector<16xf32>
        %mul3A_248 = arith.constant 8.000000e+00 : f32
        %mul3A_249 = vector.broadcast %mul3A_248 : f32 to vector<16xf32>
        %mul3A_250 = arith.mulf %get3A_247, %mul3A_249 : vector<16xf32>
        %swap3A_251 = arith.index_cast %add3A_207 : i32 to index
        %swap3A_252 = arith.constant 48 : index
        %swap3A_253 = tpu.vector_load %arg8[%swap3A_251, %swap3A_252] {strides = array<i32>} : memref<512x64xf32, #tpu.memory_space<vmem>>, vector<1x16xf32>,
        %swap3A_254 = vector.shape_cast %swap3A_253 : vector<1x16xf32> to vector<16xf32>
        %swap3A_255 = vector.shape_cast %mul3A_250 : vector<16xf32> to vector<1x16xf32>
        tpu.vector_store %arg8[%swap3A_251, %swap3A_252], %swap3A_255 {strides = array<i32>} : memref<512x64xf32, #tpu.memory_space<vmem>>, vector<1x16xf32>,
        %mul3A_256 = arith.constant 8 : i32
        %mul3A_257 = arith.muli %scan3A_100, %mul3A_256 : i32
        %add3A_258 = arith.constant 3 : i32
        %add3A_259 = arith.addi %mul3A_257, %add3A_258 : i32
        %get3A_260 = arith.index_cast %add3A_259 : i32 to index
        %get3A_261 = arith.constant 0 : index
        %get3A_262 = tpu.vector_load %arg8[%get3A_260, %get3A_261] {strides = array<i32>} : memref<512x64xf32, #tpu.memory_space<vmem>>, vector<1x16xf32>,
        %get3A_263 = vector.shape_cast %get3A_262 : vector<1x16xf32> to vector<16xf32>
        %mul3A_264 = arith.constant 8.000000e+00 : f32
        %mul3A_265 = vector.broadcast %mul3A_264 : f32 to vector<16xf32>
        %mul3A_266 = arith.mulf %get3A_263, %mul3A_265 : vector<16xf32>
        %swap3A_267 = arith.index_cast %add3A_259 : i32 to index
        %swap3A_268 = arith.constant 0 : index
        %swap3A_269 = tpu.vector_load %arg8[%swap3A_267, %swap3A_268] {strides = array<i32>} : memref<512x64xf32, #tpu.memory_space<vmem>>, vector<1x16xf32>,
        %swap3A_270 = vector.shape_cast %swap3A_269 : vector<1x16xf32> to vector<16xf32>
        %swap3A_271 = vector.shape_cast %mul3A_266 : vector<16xf32> to vector<1x16xf32>
        tpu.vector_store %arg8[%swap3A_267, %swap3A_268], %swap3A_271 {strides = array<i32>} : memref<512x64xf32, #tpu.memory_space<vmem>>, vector<1x16xf32>,
        %get3A_272 = arith.index_cast %add3A_259 : i32 to index
        %get3A_273 = arith.constant 16 : index
        %get3A_274 = tpu.vector_load %arg8[%get3A_272, %get3A_273] {strides = array<i32>} : memref<512x64xf32, #tpu.memory_space<vmem>>, vector<1x16xf32>,
        %get3A_275 = vector.shape_cast %get3A_274 : vector<1x16xf32> to vector<16xf32>
        %mul3A_276 = arith.constant 8.000000e+00 : f32
        %mul3A_277 = vector.broadcast %mul3A_276 : f32 to vector<16xf32>
        %mul3A_278 = arith.mulf %get3A_275, %mul3A_277 : vector<16xf32>
        %swap3A_279 = arith.index_cast %add3A_259 : i32 to index
        %swap3A_280 = arith.constant 16 : index
        %swap3A_281 = tpu.vector_load %arg8[%swap3A_279, %swap3A_280] {strides = array<i32>} : memref<512x64xf32, #tpu.memory_space<vmem>>, vector<1x16xf32>,
        %swap3A_282 = vector.shape_cast %swap3A_281 : vector<1x16xf32> to vector<16xf32>
        %swap3A_283 = vector.shape_cast %mul3A_278 : vector<16xf32> to vector<1x16xf32>
        tpu.vector_store %arg8[%swap3A_279, %swap3A_280], %swap3A_283 {strides = array<i32>} : memref<512x64xf32, #tpu.memory_space<vmem>>, vector<1x16xf32>,
        %get3A_284 = arith.index_cast %add3A_259 : i32 to index
        %get3A_285 = arith.constant 32 : index
        %get3A_286 = tpu.vector_load %arg8[%get3A_284, %get3A_285] {strides = array<i32>} : memref<512x64xf32, #tpu.memory_space<vmem>>, vector<1x16xf32>,
        %get3A_287 = vector.shape_cast %get3A_286 : vector<1x16xf32> to vector<16xf32>
        %mul3A_288 = arith.constant 8.000000e+00 : f32
        %mul3A_289 = vector.broadcast %mul3A_288 : f32 to vector<16xf32>
        %mul3A_290 = arith.mulf %get3A_287, %mul3A_289 : vector<16xf32>
        %swap3A_291 = arith.index_cast %add3A_259 : i32 to index
        %swap3A_292 = arith.constant 32 : index
        %swap3A_293 = tpu.vector_load %arg8[%swap3A_291, %swap3A_292] {strides = array<i32>} : memref<512x64xf32, #tpu.memory_space<vmem>>, vector<1x16xf32>,
        %swap3A_294 = vector.shape_cast %swap3A_293 : vector<1x16xf32> to vector<16xf32>
        %swap3A_295 = vector.shape_cast %mul3A_290 : vector<16xf32> to vector<1x16xf32>
        tpu.vector_store %arg8[%swap3A_291, %swap3A_292], %swap3A_295 {strides = array<i32>} : memref<512x64xf32, #tpu.memory_space<vmem>>, vector<1x16xf32>,
        %get3A_296 = arith.index_cast %add3A_259 : i32 to index
        %get3A_297 = arith.constant 48 : index
        %get3A_298 = tpu.vector_load %arg8[%get3A_296, %get3A_297] {strides = array<i32>} : memref<512x64xf32, #tpu.memory_space<vmem>>, vector<1x16xf32>,
        %get3A_299 = vector.shape_cast %get3A_298 : vector<1x16xf32> to vector<16xf32>
        %mul3A_300 = arith.constant 8.000000e+00 : f32
        %mul3A_301 = vector.broadcast %mul3A_300 : f32 to vector<16xf32>
        %mul3A_302 = arith.mulf %get3A_299, %mul3A_301 : vector<16xf32>
        %swap3A_303 = arith.index_cast %add3A_259 : i32 to index
        %swap3A_304 = arith.constant 48 : index
        %swap3A_305 = tpu.vector_load %arg8[%swap3A_303, %swap3A_304] {strides = array<i32>} : memref<512x64xf32, #tpu.memory_space<vmem>>, vector<1x16xf32>,
        %swap3A_306 = vector.shape_cast %swap3A_305 : vector<1x16xf32> to vector<16xf32>
        %swap3A_307 = vector.shape_cast %mul3A_302 : vector<16xf32> to vector<1x16xf32>
        tpu.vector_store %arg8[%swap3A_303, %swap3A_304], %swap3A_307 {strides = array<i32>} : memref<512x64xf32, #tpu.memory_space<vmem>>, vector<1x16xf32>,
        %mul3A_308 = arith.constant 8 : i32
        %mul3A_309 = arith.muli %scan3A_100, %mul3A_308 : i32
        %add3A_310 = arith.constant 4 : i32
        %add3A_311 = arith.addi %mul3A_309, %add3A_310 : i32
        %get3A_312 = arith.index_cast %add3A_311 : i32 to index
        %get3A_313 = arith.constant 0 : index
        %get3A_314 = tpu.vector_load %arg8[%get3A_312, %get3A_313] {strides = array<i32>} : memref<512x64xf32, #tpu.memory_space<vmem>>, vector<1x16xf32>,
        %get3A_315 = vector.shape_cast %get3A_314 : vector<1x16xf32> to vector<16xf32>
        %mul3A_316 = arith.constant 8.000000e+00 : f32
        %mul3A_317 = vector.broadcast %mul3A_316 : f32 to vector<16xf32>
        %mul3A_318 = arith.mulf %get3A_315, %mul3A_317 : vector<16xf32>
        %swap3A_319 = arith.index_cast %add3A_311 : i32 to index
        %swap3A_320 = arith.constant 0 : index
        %swap3A_321 = tpu.vector_load %arg8[%swap3A_319, %swap3A_320] {strides = array<i32>} : memref<512x64xf32, #tpu.memory_space<vmem>>, vector<1x16xf32>,
        %swap3A_322 = vector.shape_cast %swap3A_321 : vector<1x16xf32> to vector<16xf32>
        %swap3A_323 = vector.shape_cast %mul3A_318 : vector<16xf32> to vector<1x16xf32>
        tpu.vector_store %arg8[%swap3A_319, %swap3A_320], %swap3A_323 {strides = array<i32>} : memref<512x64xf32, #tpu.memory_space<vmem>>, vector<1x16xf32>,
        %get3A_324 = arith.index_cast %add3A_311 : i32 to index
        %get3A_325 = arith.constant 16 : index
        %get3A_326 = tpu.vector_load %arg8[%get3A_324, %get3A_325] {strides = array<i32>} : memref<512x64xf32, #tpu.memory_space<vmem>>, vector<1x16xf32>,
        %get3A_327 = vector.shape_cast %get3A_326 : vector<1x16xf32> to vector<16xf32>
        %mul3A_328 = arith.constant 8.000000e+00 : f32
        %mul3A_329 = vector.broadcast %mul3A_328 : f32 to vector<16xf32>
        %mul3A_330 = arith.mulf %get3A_327, %mul3A_329 : vector<16xf32>
        %swap3A_331 = arith.index_cast %add3A_311 : i32 to index
        %swap3A_332 = arith.constant 16 : index
        %swap3A_333 = tpu.vector_load %arg8[%swap3A_331, %swap3A_332] {strides = array<i32>} : memref<512x64xf32, #tpu.memory_space<vmem>>, vector<1x16xf32>,
        %swap3A_334 = vector.shape_cast %swap3A_333 : vector<1x16xf32> to vector<16xf32>
        %swap3A_335 = vector.shape_cast %mul3A_330 : vector<16xf32> to vector<1x16xf32>
        tpu.vector_store %arg8[%swap3A_331, %swap3A_332], %swap3A_335 {strides = array<i32>} : memref<512x64xf32, #tpu.memory_space<vmem>>, vector<1x16xf32>,
        %get3A_336 = arith.index_cast %add3A_311 : i32 to index
        %get3A_337 = arith.constant 32 : index
        %get3A_338 = tpu.vector_load %arg8[%get3A_336, %get3A_337] {strides = array<i32>} : memref<512x64xf32, #tpu.memory_space<vmem>>, vector<1x16xf32>,
        %get3A_339 = vector.shape_cast %get3A_338 : vector<1x16xf32> to vector<16xf32>
        %mul3A_340 = arith.constant 8.000000e+00 : f32
        %mul3A_341 = vector.broadcast %mul3A_340 : f32 to vector<16xf32>
        %mul3A_342 = arith.mulf %get3A_339, %mul3A_341 : vector<16xf32>
        %swap3A_343 = arith.index_cast %add3A_311 : i32 to index
        %swap3A_344 = arith.constant 32 : index
        %swap3A_345 = tpu.vector_load %arg8[%swap3A_343, %swap3A_344] {strides = array<i32>} : memref<512x64xf32, #tpu.memory_space<vmem>>, vector<1x16xf32>,
        %swap3A_346 = vector.shape_cast %swap3A_345 : vector<1x16xf32> to vector<16xf32>
        %swap3A_347 = vector.shape_cast %mul3A_342 : vector<16xf32> to vector<1x16xf32>
        tpu.vector_store %arg8[%swap3A_343, %swap3A_344], %swap3A_347 {strides = array<i32>} : memref<512x64xf32, #tpu.memory_space<vmem>>, vector<1x16xf32>,
        %get3A_348 = arith.index_cast %add3A_311 : i32 to index
        %get3A_349 = arith.constant 48 : index
        %get3A_350 = tpu.vector_load %arg8[%get3A_348, %get3A_349] {strides = array<i32>} : memref<512x64xf32, #tpu.memory_space<vmem>>, vector<1x16xf32>,
        %get3A_351 = vector.shape_cast %get3A_350 : vector<1x16xf32> to vector<16xf32>
        %mul3A_352 = arith.constant 8.000000e+00 : f32
        %mul3A_353 = vector.broadcast %mul3A_352 : f32 to vector<16xf32>
        %mul3A_354 = arith.mulf %get3A_351, %mul3A_353 : vector<16xf32>
        %swap3A_355 = arith.index_cast %add3A_311 : i32 to index
        %swap3A_356 = arith.constant 48 : index
        %swap3A_357 = tpu.vector_load %arg8[%swap3A_355, %swap3A_356] {strides = array<i32>} : memref<512x64xf32, #tpu.memory_space<vmem>>, vector<1x16xf32>,
        %swap3A_358 = vector.shape_cast %swap3A_357 : vector<1x16xf32> to vector<16xf32>
        %swap3A_359 = vector.shape_cast %mul3A_354 : vector<16xf32> to vector<1x16xf32>
        tpu.vector_store %arg8[%swap3A_355, %swap3A_356], %swap3A_359 {strides = array<i32>} : memref<512x64xf32, #tpu.memory_space<vmem>>, vector<1x16xf32>,
        %mul3A_360 = arith.constant 8 : i32
        %mul3A_361 = arith.muli %scan3A_100, %mul3A_360 : i32
        %add3A_362 = arith.constant 5 : i32
        %add3A_363 = arith.addi %mul3A_361, %add3A_362 : i32
        %get3A_364 = arith.index_cast %add3A_363 : i32 to index
        %get3A_365 = arith.constant 0 : index
        %get3A_366 = tpu.vector_load %arg8[%get3A_364, %get3A_365] {strides = array<i32>} : memref<512x64xf32, #tpu.memory_space<vmem>>, vector<1x16xf32>,
        %get3A_367 = vector.shape_cast %get3A_366 : vector<1x16xf32> to vector<16xf32>
        %mul3A_368 = arith.constant 8.000000e+00 : f32
        %mul3A_369 = vector.broadcast %mul3A_368 : f32 to vector<16xf32>
        %mul3A_370 = arith.mulf %get3A_367, %mul3A_369 : vector<16xf32>
        %swap3A_371 = arith.index_cast %add3A_363 : i32 to index
        %swap3A_372 = arith.constant 0 : index
        %swap3A_373 = tpu.vector_load %arg8[%swap3A_371, %swap3A_372] {strides = array<i32>} : memref<512x64xf32, #tpu.memory_space<vmem>>, vector<1x16xf32>,
        %swap3A_374 = vector.shape_cast %swap3A_373 : vector<1x16xf32> to vector<16xf32>
        %swap3A_375 = vector.shape_cast %mul3A_370 : vector<16xf32> to vector<1x16xf32>
        tpu.vector_store %arg8[%swap3A_371, %swap3A_372], %swap3A_375 {strides = array<i32>} : memref<512x64xf32, #tpu.memory_space<vmem>>, vector<1x16xf32>,
        %get3A_376 = arith.index_cast %add3A_363 : i32 to index
        %get3A_377 = arith.constant 16 : index
        %get3A_378 = tpu.vector_load %arg8[%get3A_376, %get3A_377] {strides = array<i32>} : memref<512x64xf32, #tpu.memory_space<vmem>>, vector<1x16xf32>,
        %get3A_379 = vector.shape_cast %get3A_378 : vector<1x16xf32> to vector<16xf32>
        %mul3A_380 = arith.constant 8.000000e+00 : f32
        %mul3A_381 = vector.broadcast %mul3A_380 : f32 to vector<16xf32>
        %mul3A_382 = arith.mulf %get3A_379, %mul3A_381 : vector<16xf32>
        %swap3A_383 = arith.index_cast %add3A_363 : i32 to index
        %swap3A_384 = arith.constant 16 : index
        %swap3A_385 = tpu.vector_load %arg8[%swap3A_383, %swap3A_384] {strides = array<i32>} : memref<512x64xf32, #tpu.memory_space<vmem>>, vector<1x16xf32>,
        %swap3A_386 = vector.shape_cast %swap3A_385 : vector<1x16xf32> to vector<16xf32>
        %swap3A_387 = vector.shape_cast %mul3A_382 : vector<16xf32> to vector<1x16xf32>
        tpu.vector_store %arg8[%swap3A_383, %swap3A_384], %swap3A_387 {strides = array<i32>} : memref<512x64xf32, #tpu.memory_space<vmem>>, vector<1x16xf32>,
        %get3A_388 = arith.index_cast %add3A_363 : i32 to index
        %get3A_389 = arith.constant 32 : index
        %get3A_390 = tpu.vector_load %arg8[%get3A_388, %get3A_389] {strides = array<i32>} : memref<512x64xf32, #tpu.memory_space<vmem>>, vector<1x16xf32>,
        %get3A_391 = vector.shape_cast %get3A_390 : vector<1x16xf32> to vector<16xf32>
        %mul3A_392 = arith.constant 8.000000e+00 : f32
        %mul3A_393 = vector.broadcast %mul3A_392 : f32 to vector<16xf32>
        %mul3A_394 = arith.mulf %get3A_391, %mul3A_393 : vector<16xf32>
        %swap3A_395 = arith.index_cast %add3A_363 : i32 to index
        %swap3A_396 = arith.constant 32 : index
        %swap3A_397 = tpu.vector_load %arg8[%swap3A_395, %swap3A_396] {strides = array<i32>} : memref<512x64xf32, #tpu.memory_space<vmem>>, vector<1x16xf32>,
        %swap3A_398 = vector.shape_cast %swap3A_397 : vector<1x16xf32> to vector<16xf32>
        %swap3A_399 = vector.shape_cast %mul3A_394 : vector<16xf32> to vector<1x16xf32>
        tpu.vector_store %arg8[%swap3A_395, %swap3A_396], %swap3A_399 {strides = array<i32>} : memref<512x64xf32, #tpu.memory_space<vmem>>, vector<1x16xf32>,
        %get3A_400 = arith.index_cast %add3A_363 : i32 to index
        %get3A_401 = arith.constant 48 : index
        %get3A_402 = tpu.vector_load %arg8[%get3A_400, %get3A_401] {strides = array<i32>} : memref<512x64xf32, #tpu.memory_space<vmem>>, vector<1x16xf32>,
        %get3A_403 = vector.shape_cast %get3A_402 : vector<1x16xf32> to vector<16xf32>
        %mul3A_404 = arith.constant 8.000000e+00 : f32
        %mul3A_405 = vector.broadcast %mul3A_404 : f32 to vector<16xf32>
        %mul3A_406 = arith.mulf %get3A_403, %mul3A_405 : vector<16xf32>
        %swap3A_407 = arith.index_cast %add3A_363 : i32 to index
        %swap3A_408 = arith.constant 48 : index
        %swap3A_409 = tpu.vector_load %arg8[%swap3A_407, %swap3A_408] {strides = array<i32>} : memref<512x64xf32, #tpu.memory_space<vmem>>, vector<1x16xf32>,
        %swap3A_410 = vector.shape_cast %swap3A_409 : vector<1x16xf32> to vector<16xf32>
        %swap3A_411 = vector.shape_cast %mul3A_406 : vector<16xf32> to vector<1x16xf32>
        tpu.vector_store %arg8[%swap3A_407, %swap3A_408], %swap3A_411 {strides = array<i32>} : memref<512x64xf32, #tpu.memory_space<vmem>>, vector<1x16xf32>,
        %mul3A_412 = arith.constant 8 : i32
        %mul3A_413 = arith.muli %scan3A_100, %mul3A_412 : i32
        %add3A_414 = arith.constant 6 : i32
        %add3A_415 = arith.addi %mul3A_413, %add3A_414 : i32
        %get3A_416 = arith.index_cast %add3A_415 : i32 to index
        %get3A_417 = arith.constant 0 : index
        %get3A_418 = tpu.vector_load %arg8[%get3A_416, %get3A_417] {strides = array<i32>} : memref<512x64xf32, #tpu.memory_space<vmem>>, vector<1x16xf32>,
        %get3A_419 = vector.shape_cast %get3A_418 : vector<1x16xf32> to vector<16xf32>
        %mul3A_420 = arith.constant 8.000000e+00 : f32
        %mul3A_421 = vector.broadcast %mul3A_420 : f32 to vector<16xf32>
        %mul3A_422 = arith.mulf %get3A_419, %mul3A_421 : vector<16xf32>
        %swap3A_423 = arith.index_cast %add3A_415 : i32 to index
        %swap3A_424 = arith.constant 0 : index
        %swap3A_425 = tpu.vector_load %arg8[%swap3A_423, %swap3A_424] {strides = array<i32>} : memref<512x64xf32, #tpu.memory_space<vmem>>, vector<1x16xf32>,
        %swap3A_426 = vector.shape_cast %swap3A_425 : vector<1x16xf32> to vector<16xf32>
        %swap3A_427 = vector.shape_cast %mul3A_422 : vector<16xf32> to vector<1x16xf32>
        tpu.vector_store %arg8[%swap3A_423, %swap3A_424], %swap3A_427 {strides = array<i32>} : memref<512x64xf32, #tpu.memory_space<vmem>>, vector<1x16xf32>,
        %get3A_428 = arith.index_cast %add3A_415 : i32 to index
        %get3A_429 = arith.constant 16 : index
        %get3A_430 = tpu.vector_load %arg8[%get3A_428, %get3A_429] {strides = array<i32>} : memref<512x64xf32, #tpu.memory_space<vmem>>, vector<1x16xf32>,
        %get3A_431 = vector.shape_cast %get3A_430 : vector<1x16xf32> to vector<16xf32>
        %mul3A_432 = arith.constant 8.000000e+00 : f32
        %mul3A_433 = vector.broadcast %mul3A_432 : f32 to vector<16xf32>
        %mul3A_434 = arith.mulf %get3A_431, %mul3A_433 : vector<16xf32>
        %swap3A_435 = arith.index_cast %add3A_415 : i32 to index
        %swap3A_436 = arith.constant 16 : index
        %swap3A_437 = tpu.vector_load %arg8[%swap3A_435, %swap3A_436] {strides = array<i32>} : memref<512x64xf32, #tpu.memory_space<vmem>>, vector<1x16xf32>,
        %swap3A_438 = vector.shape_cast %swap3A_437 : vector<1x16xf32> to vector<16xf32>
        %swap3A_439 = vector.shape_cast %mul3A_434 : vector<16xf32> to vector<1x16xf32>
        tpu.vector_store %arg8[%swap3A_435, %swap3A_436], %swap3A_439 {strides = array<i32>} : memref<512x64xf32, #tpu.memory_space<vmem>>, vector<1x16xf32>,
        %get3A_440 = arith.index_cast %add3A_415 : i32 to index
        %get3A_441 = arith.constant 32 : index
        %get3A_442 = tpu.vector_load %arg8[%get3A_440, %get3A_441] {strides = array<i32>} : memref<512x64xf32, #tpu.memory_space<vmem>>, vector<1x16xf32>,
        %get3A_443 = vector.shape_cast %get3A_442 : vector<1x16xf32> to vector<16xf32>
        %mul3A_444 = arith.constant 8.000000e+00 : f32
        %mul3A_445 = vector.broadcast %mul3A_444 : f32 to vector<16xf32>
        %mul3A_446 = arith.mulf %get3A_443, %mul3A_445 : vector<16xf32>
        %swap3A_447 = arith.index_cast %add3A_415 : i32 to index
        %swap3A_448 = arith.constant 32 : index
        %swap3A_449 = tpu.vector_load %arg8[%swap3A_447, %swap3A_448] {strides = array<i32>} : memref<512x64xf32, #tpu.memory_space<vmem>>, vector<1x16xf32>,
        %swap3A_450 = vector.shape_cast %swap3A_449 : vector<1x16xf32> to vector<16xf32>
        %swap3A_451 = vector.shape_cast %mul3A_446 : vector<16xf32> to vector<1x16xf32>
        tpu.vector_store %arg8[%swap3A_447, %swap3A_448], %swap3A_451 {strides = array<i32>} : memref<512x64xf32, #tpu.memory_space<vmem>>, vector<1x16xf32>,
        %get3A_452 = arith.index_cast %add3A_415 : i32 to index
        %get3A_453 = arith.constant 48 : index
        %get3A_454 = tpu.vector_load %arg8[%get3A_452, %get3A_453] {strides = array<i32>} : memref<512x64xf32, #tpu.memory_space<vmem>>, vector<1x16xf32>,
        %get3A_455 = vector.shape_cast %get3A_454 : vector<1x16xf32> to vector<16xf32>
        %mul3A_456 = arith.constant 8.000000e+00 : f32
        %mul3A_457 = vector.broadcast %mul3A_456 : f32 to vector<16xf32>
        %mul3A_458 = arith.mulf %get3A_455, %mul3A_457 : vector<16xf32>
        %swap3A_459 = arith.index_cast %add3A_415 : i32 to index
        %swap3A_460 = arith.constant 48 : index
        %swap3A_461 = tpu.vector_load %arg8[%swap3A_459, %swap3A_460] {strides = array<i32>} : memref<512x64xf32, #tpu.memory_space<vmem>>, vector<1x16xf32>,
        %swap3A_462 = vector.shape_cast %swap3A_461 : vector<1x16xf32> to vector<16xf32>
        %swap3A_463 = vector.shape_cast %mul3A_458 : vector<16xf32> to vector<1x16xf32>
        tpu.vector_store %arg8[%swap3A_459, %swap3A_460], %swap3A_463 {strides = array<i32>} : memref<512x64xf32, #tpu.memory_space<vmem>>, vector<1x16xf32>,
        %mul3A_464 = arith.constant 8 : i32
        %mul3A_465 = arith.muli %scan3A_100, %mul3A_464 : i32
        %add3A_466 = arith.constant 7 : i32
        %add3A_467 = arith.addi %mul3A_465, %add3A_466 : i32
        %get3A_468 = arith.index_cast %add3A_467 : i32 to index
        %get3A_469 = arith.constant 0 : index
        %get3A_470 = tpu.vector_load %arg8[%get3A_468, %get3A_469] {strides = array<i32>} : memref<512x64xf32, #tpu.memory_space<vmem>>, vector<1x16xf32>,
        %get3A_471 = vector.shape_cast %get3A_470 : vector<1x16xf32> to vector<16xf32>
        %mul3A_472 = arith.constant 8.000000e+00 : f32
        %mul3A_473 = vector.broadcast %mul3A_472 : f32 to vector<16xf32>
        %mul3A_474 = arith.mulf %get3A_471, %mul3A_473 : vector<16xf32>
        %swap3A_475 = arith.index_cast %add3A_467 : i32 to index
        %swap3A_476 = arith.constant 0 : index
        %swap3A_477 = tpu.vector_load %arg8[%swap3A_475, %swap3A_476] {strides = array<i32>} : memref<512x64xf32, #tpu.memory_space<vmem>>, vector<1x16xf32>,
        %swap3A_478 = vector.shape_cast %swap3A_477 : vector<1x16xf32> to vector<16xf32>
        %swap3A_479 = vector.shape_cast %mul3A_474 : vector<16xf32> to vector<1x16xf32>
        tpu.vector_store %arg8[%swap3A_475, %swap3A_476], %swap3A_479 {strides = array<i32>} : memref<512x64xf32, #tpu.memory_space<vmem>>, vector<1x16xf32>,
        %get3A_480 = arith.index_cast %add3A_467 : i32 to index
        %get3A_481 = arith.constant 16 : index
        %get3A_482 = tpu.vector_load %arg8[%get3A_480, %get3A_481] {strides = array<i32>} : memref<512x64xf32, #tpu.memory_space<vmem>>, vector<1x16xf32>,
        %get3A_483 = vector.shape_cast %get3A_482 : vector<1x16xf32> to vector<16xf32>
        %mul3A_484 = arith.constant 8.000000e+00 : f32
        %mul3A_485 = vector.broadcast %mul3A_484 : f32 to vector<16xf32>
        %mul3A_486 = arith.mulf %get3A_483, %mul3A_485 : vector<16xf32>
        %swap3A_487 = arith.index_cast %add3A_467 : i32 to index
        %swap3A_488 = arith.constant 16 : index
        %swap3A_489 = tpu.vector_load %arg8[%swap3A_487, %swap3A_488] {strides = array<i32>} : memref<512x64xf32, #tpu.memory_space<vmem>>, vector<1x16xf32>,
        %swap3A_490 = vector.shape_cast %swap3A_489 : vector<1x16xf32> to vector<16xf32>
        %swap3A_491 = vector.shape_cast %mul3A_486 : vector<16xf32> to vector<1x16xf32>
        tpu.vector_store %arg8[%swap3A_487, %swap3A_488], %swap3A_491 {strides = array<i32>} : memref<512x64xf32, #tpu.memory_space<vmem>>, vector<1x16xf32>,
        %get3A_492 = arith.index_cast %add3A_467 : i32 to index
        %get3A_493 = arith.constant 32 : index
        %get3A_494 = tpu.vector_load %arg8[%get3A_492, %get3A_493] {strides = array<i32>} : memref<512x64xf32, #tpu.memory_space<vmem>>, vector<1x16xf32>,
        %get3A_495 = vector.shape_cast %get3A_494 : vector<1x16xf32> to vector<16xf32>
        %mul3A_496 = arith.constant 8.000000e+00 : f32
        %mul3A_497 = vector.broadcast %mul3A_496 : f32 to vector<16xf32>
        %mul3A_498 = arith.mulf %get3A_495, %mul3A_497 : vector<16xf32>
        %swap3A_499 = arith.index_cast %add3A_467 : i32 to index
        %swap3A_500 = arith.constant 32 : index
        %swap3A_501 = tpu.vector_load %arg8[%swap3A_499, %swap3A_500] {strides = array<i32>} : memref<512x64xf32, #tpu.memory_space<vmem>>, vector<1x16xf32>,
        %swap3A_502 = vector.shape_cast %swap3A_501 : vector<1x16xf32> to vector<16xf32>
        %swap3A_503 = vector.shape_cast %mul3A_498 : vector<16xf32> to vector<1x16xf32>
        tpu.vector_store %arg8[%swap3A_499, %swap3A_500], %swap3A_503 {strides = array<i32>} : memref<512x64xf32, #tpu.memory_space<vmem>>, vector<1x16xf32>,
        %get3A_504 = arith.index_cast %add3A_467 : i32 to index
        %get3A_505 = arith.constant 48 : index
        %get3A_506 = tpu.vector_load %arg8[%get3A_504, %get3A_505] {strides = array<i32>} : memref<512x64xf32, #tpu.memory_space<vmem>>, vector<1x16xf32>,
        %get3A_507 = vector.shape_cast %get3A_506 : vector<1x16xf32> to vector<16xf32>
        %mul3A_508 = arith.constant 8.000000e+00 : f32
        %mul3A_509 = vector.broadcast %mul3A_508 : f32 to vector<16xf32>
        %mul3A_510 = arith.mulf %get3A_507, %mul3A_509 : vector<16xf32>
        %swap3A_511 = arith.index_cast %add3A_467 : i32 to index
        %swap3A_512 = arith.constant 48 : index
        %swap3A_513 = tpu.vector_load %arg8[%swap3A_511, %swap3A_512] {strides = array<i32>} : memref<512x64xf32, #tpu.memory_space<vmem>>, vector<1x16xf32>,
        %swap3A_514 = vector.shape_cast %swap3A_513 : vector<1x16xf32> to vector<16xf32>
        %swap3A_515 = vector.shape_cast %mul3A_510 : vector<16xf32> to vector<1x16xf32>
        tpu.vector_store %arg8[%swap3A_511, %swap3A_512], %swap3A_515 {strides = array<i32>} : memref<512x64xf32, #tpu.memory_space<vmem>>, vector<1x16xf32>,
        %scan3A_516 = arith.constant 0 : i32
        scf.yield %scan3A_516 : i32
      }
      %scan3A_91 = arith.constant 64 : i32
      %mul3A_92 = arith.constant 512 : i32
      %mul3A_93 = arith.muli %add3A_73, %mul3A_92 : i32
      %add3A_94 = arith.addi %mul3A_2, %mul3A_93 : i32
      %dma_start3A_95 = arith.constant 0 : i32
      %dma_start3A_96 = tpu.memref_slice %arg4[%add3A_94, %dma_start3A_95] : memref<819200x64xf32, #tpu.memory_space<hbm>> -> memref<512x64xf32, #tpu.memory_space<hbm>>
      %dma_start3A_97 = arith.constant 0 : i32
      %dma_start3A_98 = tpu.memref_slice %arg4[%add3A_94, %dma_start3A_97] : memref<819200x64xf32, #tpu.memory_space<hbm>> -> memref<512x64xf32, #tpu.memory_space<hbm>>
      tpu.enqueue_dma source(%arg8 : memref<512x64xf32, #tpu.memory_space<vmem>>) target(%dma_start3A_98 : memref<512x64xf32, #tpu.memory_space<hbm>>) target_semaphore(%arg14 : memref<!tpu.dma_semaphore, #tpu.memory_space<semaphore_mem>>)
      %scan3A_99 = arith.constant 0 : i32
      scf.yield %scan3A_99 : i32
    }
    %scan3A_15 = arith.constant 25 : i32
    %dma_wait3A = arith.constant 0 : i32
    %dma_wait3A_16 = tpu.memref_slice %arg4[%mul3A_2, %dma_wait3A] : memref<819200x64xf32, #tpu.memory_space<hbm>> -> memref<512x64xf32, #tpu.memory_space<hbm>>
    %dma_wait3A_17 = arith.constant 0 : i32
    %dma_wait3A_18 = tpu.memref_slice %arg4[%mul3A_2, %dma_wait3A_17] : memref<819200x64xf32, #tpu.memory_space<hbm>> -> memref<512x64xf32, #tpu.memory_space<hbm>>
    tpu.wait_dma2 semaphore(%arg13 : memref<!tpu.dma_semaphore, #tpu.memory_space<semaphore_mem>>) src(%arg7 : memref<512x64xf32, #tpu.memory_space<vmem>>) dst(%dma_wait3A_18 : memref<512x64xf32, #tpu.memory_space<hbm>>)
    %dma_wait3A_19 = arith.constant 0 : i32
    %dma_wait3A_20 = tpu.memref_slice %arg4[%mul3A_2, %dma_wait3A_19] : memref<819200x64xf32, #tpu.memory_space<hbm>> -> memref<512x64xf32, #tpu.memory_space<hbm>>
    %dma_wait3A_21 = arith.constant 0 : i32
    %dma_wait3A_22 = tpu.memref_slice %arg4[%mul3A_2, %dma_wait3A_21] : memref<819200x64xf32, #tpu.memory_space<hbm>> -> memref<512x64xf32, #tpu.memory_space<hbm>>
    tpu.wait_dma2 semaphore(%arg14 : memref<!tpu.dma_semaphore, #tpu.memory_space<semaphore_mem>>) src(%arg8 : memref<512x64xf32, #tpu.memory_space<vmem>>) dst(%dma_wait3A_22 : memref<512x64xf32, #tpu.memory_space<hbm>>)
    return
  }
}

</mosaic_0001>

<sc_bundles>
// kernel: kernel.3.cloned.1.call-start
scs
__scs_entry_jumppad:
0x0: {  	(pc) =	sbr.rel $0x88, $3  }
0x1: {  	(tag) =	ssettag $0x0;
	lr =	simm.s32 $0x1  }
0x2: {  	[smem:$0x3F9F] =	sst lr;
	_ =	strace $0xD0000000  }
0x3: {  	_ = 	snop  }
0x4: {  	_ = 	snop  }
0x5: {  	_ = 	snop  }
0x6: {  	_ = 	snop  }
0x7: {  	_ = 	snop  }
__scs_overlays_trampoline_lowered:
0x8: {  	[smem:$0x3FAE] =	sst s0  }
0x9: {  	[smem:$0x3FAF] =	sst s1  }
0xa: {  	[smem:$0x3FB0] =	sst s2  }
0xb: {  	[smem:$0x3FB1] =	sst s3  }
0xc: {  	[smem:$0x3FB2] =	sst s4  }
0xd: {  	[smem:$0x3FB3] =	sst s5  }
0xe: {  	[smem:$0x3FB4] =	sst s6  }
0xf: {  	[smem:$0x3FB5] =	sst s7  }
0x10: {  	[smem:$0x3FB6] =	sst s8  }
0x11: {  	[smem:$0x3FB7] =	sst s9;
	s0 =	simm.s32 @!p0 $0x0  }
0x12: {  	s1 =	sld [smem:$0x3F9D];
	s0 =	simm.s32 @p0 $0x1  }
0x13: {  	[smem:$0x3FB8] =	sst s0;
	s0 =	simm.s32 @!p1 $0x0  }
0x14: {  	s2 =	sld [smem:$0x3F9C];
	s0 =	simm.s32 @p1 $0x1  }
0x15: {  	[smem:$0x3FB9] =	sst s0;
	s0 =	simm.s32 @!p2 $0x0  }
0x16: {  	s3 =	sld [smem:$0x3FDB];
	s0 =	simm.s32 @p2 $0x1  }
0x17: {  	s4 =	simm.s32 $0x1BF5;
	[smem:$0x3FBB] =	sst s0  }
0x18: {  	s0 =	sld [smem:$0x3F9E];
	_ =	swait.ge [sflag:s4], $0x0  }
0x19: {  	s7 =	sld [smem:$0x3F9F]  }
0x1a: {  	s8 =	sadd.s32 $0xFFFFE003, lr  }
0x1b: {  	s9 =	sadd.s32 $0xFFFFFEF7, lr;
	s5 =	simm.s32 $0xFFFFFFFF;
	p2 =	slt.u32 s8, $0xFFFFF086  }
0x1c: {  	p1 =	slt.u32 s9, $0xF7A;
	s5 =	simm.s32 @!p2 $0x0  }
0x1d: {  	s5 =	simm.s32 @p1 $0x1;
	p0 =	seq.s32 s7, s2  }
0x1e: {  	s7 =	smul.u32 @!p0 $0xF7A, s2;
	p2 =	seq.s32 @!p0 s5, $0x0  }
0x1f: {  	s9 =	smul.u32 $0xF7A, s1;
	s8 =	simm.s32 @!p0 $0x1BF5;
	p2 =	por !p2, p0  }
0x20: {  	[sflag:s8] =	ssyncset.s32 @!p0 $0xFFFFF086;
	s6 =	sadd.s32 @!p0 s3, s7;
	s7 =	simm.s32 @!p0 $0x108  }
0x21: {  	s3 =	sadd.s32 s3, s9;
	s6 =	sadd.s32 @!p0 $0x88, s6;
	s7 =	simm.s32 @p2 $0x1082  }
0x22: {  	[simem:s7], [sflag:s8] =	dma.local @!p0 [hbm:s6], $0xF7A  }
0x23: {  	s9 =	sor.u32 $0xD0000000, s2;
	s6 =	simm.s32 $0x108;
	_ =	swait.ge @!p0 [sflag:s8], $0x0  }
0x24: {  	s3 =	sadd.s32 $0x88, s3;
	s6 =	simm.s32 @!p1 $0x1082;
	[sflag:s4] =	ssyncset.s32 $0xFFFFF086  }
0x25: {  	[simem:s6], [sflag:s4] =	dma.local [hbm:s3], $0xF7A  }
0x26: {  	[smem:$0x3F9F] =	sst s1;
	(tag) =	ssettag s2;
	_ =	strace s9  }
0x27: {  	s1 =	sld [smem:$0x3FAF]  }
0x28: {  	s2 =	sld [smem:$0x3FB0]  }
0x29: {  	s4 =	sld [smem:$0x3FB2]  }
0x2a: {  	p0 =	seq.s32 s5, $0x0;
	s5 =	sld [smem:$0x3FB3]  }
0x2b: {  	s6 =	sld [smem:$0x3FB4]  }
0x2c: {  	s7 =	sld [smem:$0x3FB5]  }
0x2d: {  	s3 =	simm.s32 $0x108;
	s8 =	sld [smem:$0x3FB6]  }
0x2e: {  	s3 =	simm.s32 @!p0 $0x1082;
	s9 =	sld [smem:$0x3FB7]  }
0x2f: {  	lr =	sadd.s32 s0, s3;
	s0 =	sld [smem:$0x3FAE]  }
0x30: {  	s3 =	sld [smem:$0x3FB1]  }
0x31: {  	[smem:$0x3FBA] =	sst s10  }
0x32: {  	s10 =	sld [smem:$0x3FB8];
	_ =	sdelay $0x3  }
0x33: {  	p0 =	seq.s32 s10, $0x1;
	s10 =	sld [smem:$0x3FBA];
	_ =	sdelay $0x3  }
0x34: {  	[smem:$0x3FBA] =	sst s10  }
0x35: {  	s10 =	sld [smem:$0x3FB9];
	_ =	sdelay $0x3  }
0x36: {  	p1 =	seq.s32 s10, $0x1;
	s10 =	sld [smem:$0x3FBA];
	_ =	sdelay $0x3  }
0x37: {  	[smem:$0x3FBA] =	sst s10  }
0x38: {  	s10 =	sld [smem:$0x3FBB]  }
0x39: {  	_ = 	snop;
	(pc) =	sbr.ind lr, $3  }
0x3a: {  	_ = 	snop  }
0x3b: {  	_ = 	snop  }
0x3c: {  	p2 =	seq.s32 s10, $0x1;
	s10 =	sld [smem:$0x3FBA]  }
0x3d: {  	_ =	shalt  }
0x3e: {  	_ =	shalt  }
0x3f: {  	_ =	shalt  }
0x40: {  	_ =	shalt  }
0x41: {  	_ =	shalt  }
0x42: {  	_ =	shalt  }
0x43: {  	_ =	shalt  }
0x44: {  	_ =	shalt  }
0x45: {  	_ =	shalt  }
0x46: {  	_ =	shalt  }
0x47: {  	_ =	shalt  }
0x48: {  	_ =	shalt  }
0x49: {  	_ =	shalt  }
0x4a: {  	_ =	shalt  }
0x4b: {  	_ =	shalt  }
0x4c: {  	_ =	shalt  }
0x4d: {  	_ =	shalt  }
0x4e: {  	_ =	shalt  }
0x4f: {  	_ =	shalt  }
0x50: {  	_ =	shalt  }
0x51: {  	_ =	shalt  }
0x52: {  	_ =	shalt  }
0x53: {  	_ =	shalt  }
0x54: {  	_ =	shalt  }
0x55: {  	_ =	shalt  }
0x56: {  	_ =	shalt  }
0x57: {  	_ =	shalt  }
0x58: {  	_ =	shalt  }
0x59: {  	_ =	shalt  }
0x5a: {  	_ =	shalt  }
0x5b: {  	_ =	shalt  }
0x5c: {  	_ =	shalt  }
0x5d: {  	_ =	shalt  }
0x5e: {  	_ =	shalt  }
0x5f: {  	_ =	shalt  }
0x60: {  	_ =	shalt  }
0x61: {  	_ =	shalt  }
0x62: {  	_ =	shalt  }
0x63: {  	_ =	shalt  }
0x64: {  	_ =	shalt  }
0x65: {  	_ =	shalt  }
0x66: {  	_ =	shalt  }
0x67: {  	_ =	shalt  }
0x68: {  	_ =	shalt  }
0x69: {  	_ =	shalt  }
0x6a: {  	_ =	shalt  }
0x6b: {  	_ =	shalt  }
0x6c: {  	_ =	shalt  }
0x6d: {  	_ =	shalt  }
0x6e: {  	_ =	shalt  }
0x6f: {  	_ =	shalt  }
0x70: {  	_ =	shalt  }
0x71: {  	_ =	shalt  }
0x72: {  	_ =	shalt  }
0x73: {  	_ =	shalt  }
0x74: {  	_ =	shalt  }
0x75: {  	_ =	shalt  }
0x76: {  	_ =	shalt  }
0x77: {  	_ =	shalt  }
0x78: {  	_ =	shalt  }
0x79: {  	_ =	shalt  }
0x7a: {  	_ =	shalt  }
0x7b: {  	_ =	shalt  }
0x7c: {  	_ =	shalt  }
0x7d: {  	_ =	shalt  }
0x7e: {  	_ =	shalt  }
0x7f: {  	_ =	shalt  }
0x80: {  	_ =	shalt  }
0x81: {  	_ =	shalt  }
0x82: {  	_ =	shalt  }
0x83: {  	_ =	shalt  }
0x84: {  	_ =	shalt  }
0x85: {  	_ =	shalt  }
0x86: {  	_ =	shalt  }
0x87: {  	_ =	shalt  }
.Lfunc_end0:
.L_simem_size_0:
called_computation.1_lowered:
.L_overlay_start_0:
0x88: {  	s2 =	sld [smem:$0x3FD9]  }
0x89: {  	s3 =	sld [smem:$0x3FFE];
	_ =	sdelay $0x1  }
0x8a: {  	s1 =	srdreg.scid  }
0x8b: {  	s0 =	sand.u32 $0x1, s1  }
0x8c: {  	s17 =	sshll.u32 s0, $0xA;
	s2 =	sadd.s32 s3, s2  }
0x8d: {  	s2 =	sadd.s32 s2, s17  }
0x8e: {  	[smem:$0x3FC6] =	sst s2  }
0x8f: {  	_ = 	snop  }
0x90: {  	s2 =	sld [smem:$0x3FD0];
	(tm) =	ssettm $0x1  }
0x91: {  	s18 =	sld [smem:$0x3FFB];
	_ =	sdelay $0x3  }
0x92: {  	_ =	strace s18  }
0x93: {  	s3 =	sld [smem:$0x3FFC];
	_ =	sdelay $0x3  }
0x94: {  	_ =	strace s3  }
0x95: {  	s3 =	sld [smem:$0x3FFD];
	_ =	sdelay $0x3  }
0x96: {  	_ =	strace s3  }
0x97: {  	_ =	strace $0x8FFFFFFF  }
0x98: {  	s19 =	sld [smem:$0x3FDB];
	_ =	sdelay $0x1  }
0x99: {  	s4 =	simm.s32 $_scs_section_size  }
0x9a: {  	s5 =	simm.s32 $_size__tile_overlayer_lowered;
	s6 =	simm.s32 $_tile_overlayer_lowered  }
0x9b: {  	s22 =	simm.s32 $0x1BFF;
	s21 =	sshll.u32 s6, $0x1;
	s3 =	sadd.s32 s4, s19  }
0x9c: {  	s7 =	simm.s32 $0x0;
	s20 =	sshll.u32 s5, $0x1;
	s5 =	sadd.s32 s21, s3  }
0x9d: {  	[timem:s7], [sflag:s22] =	dma.local [hbm:s5], s20  }
0x9e: {  	_ =	swait.ge [sflag:s22], s20  }
0x9f: {  	s4 =	ssub.s32 $0x0, s20;
	[sflag:s22] =	ssyncset.done $0x0  }
0xa0: {  	[sflag:s22] =	ssyncadd.s32 s4;
	_ =	sdelay $0x1  }
0xa1: {  	s23 =	simm.s32 $0x1B8B  }
0xa2: {  	_ =	swait.ge [sflag:s23], $0x1  }
0xa3: {  	[sflag:s23] =	ssyncset.done $0x0  }
0xa4: {  	s25 =	simm.s32 $0x1B8E;
	s24 =	sld [smem:$0x3FFE];
	[sflag:s23] =	ssyncadd.s32 $0xFFFFFFFF  }
0xa5: {  	s26 =	simm.s32 $execute0_lowered;
	[smem:$0x3FD2] =	sst s25  }
0xa6: {  	s5 =	sshll.u32 s26, $0x1;
	_ =	strace $0x80000046;
	[dreg:$0x1] =	wrdreg $0xFFFFFFFF  }
0xa7: {  	s28 =	simm.s32 $_size_execute0_lowered;
	s3 =	sadd.s32 s3, s5;
	[dreg:$0x0] =	wrdreg $0x0  }
0xa8: {  	s5 =	sshll.u32 s28, $0x1;
	[dreg:$0x2] =	wrdreg s3  }
0xa9: {  	[dreg:$0x3] =	wrdreg s5  }
0xaa: {  	[dreg:$0x4] =	wrdreg $0xC0  }
0xab: {  	_ =	task [dreg:s7], $0x5FFFF  }
0xac: {  	[dreg:$0x1] =	wrdreg $0xFFFFFFFF  }
0xad: {  	[dreg:$0x0] =	wrdreg $0x60  }
0xae: {  	[dreg:$0x2] =	wrdreg s24  }
0xaf: {  	[dreg:$0x3] =	wrdreg s2  }
0xb0: {  	[dreg:$0x4] =	wrdreg $0x9  }
0xb1: {  	_ =	task.clear_ibuf [dreg:s7], $0x5FFFF;
	_ =	strace $0x90000046  }
0xb2: {  	s29 =	simm.s32 $0x9;
	_ =	strace $0x80000048  }
0xb3: {  	_ =	swait.ge [sflag:s29], $0x1  }
0xb4: {  	[sflag:s29] =	ssyncadd.s32 $0xFFFFFFFF  }
0xb5: {  	_ =	strace $0x90000048  }
0xb6: {  	_ =	sfence  }
0xb7: {  	s30 =	sld [smem:$0x0];
	_ =	sdelay $0x2  }
0xb8: {  	s31 =	sshll.u32 s1, $0xD;
	s1 =	sshrl.u32 s1, $0x2  }
0xb9: {  	s3 =	sand.u32 $0x4000, s31;
	s1 =	sadd.s32 s1, s30  }
0xba: {  	s0 =	sor.u32 s3, s0;
	s1 =	sshll.u32 s1, $0x11  }
0xbb: {  	s0 =	sor.u32 s1, s0  }
0xbc: {  	s0 =	sadd.s32 $0x8F2B, s0  }
0xbd: {  	[sflag:s0] =	ssyncadd.remote.s32 $0x1  }
0xbe: {  	_ =	sfence.sel $0xFFFF  }
0xbf: {  	[dreg:$0x0] =	wrdreg $0xFFFFFFFF;
	(pc) =	sbr.abs _section_cstart, $3  }
0xc0: {  	[dreg:$0x1] =	wrdreg $0xFFFFFFFF  }
0xc1: {  	_ =	task.clear_ibuf [dreg:s7], $0x2FFFF;
	_ =	strace $0x9FFFFFFF  }
0xc2: {  	(tm) =	ssettm $0x7FFFFFFF  }
0xc3: {  	_ =	shalt  }
tec
execute0_lowered:
.L_overlay_start_1:
0x0: {  	(tag) =	ssettag $0x1  }
0x1: {  	s5 =	rddreg [dreg:$0x0];
	s1 =	srdreg.scid  }
0x2: {  	s0 =	stileid.u32;
	s2 =	rddreg [dreg:$0x1]  }
0x3: {  	s3 =	simm.s32 $0x0;
	s13 =	simm.s32 $0x200;
	s14 =	simm.s32 $0x2  }
0x4: {  	s15 =	simm.s32 $0x8400;
	s16 =	simm.s32 $0x3;
	s17 =	simm.s32 $0x400  }
0x5: {  	s18 =	simm.s32 $0x4;
	s19 =	simm.s32 $0x5;
	s20 =	simm.s32 $0x6  }
0x6: {  	s4 =	sand.u32 $0x1, s1;
	s6 =	sshll.u32 s0, $0x1;
	s1 =	rddreg [dreg:$0x2]  }
0x7: {  	s21 =	simm.s32 $0x0;
	[smem:$0x7FF] =	sst s3;
	s9 =	sor.u32 s4, s6  }
0x8: {  	_ =	strace $0x80000047;
	s31 =	ssub.s32 $0x2, s4;
	s11 =	smul.u32 $0x6400, s9  }
0x9: {  	s4 =	sadd.s32 $0xA00, s5;
	s5 =	sadd.s32 $0xF42E00, s5;
	s7 =	sshrl.u32 s31, $0x1  }
0xa: {  	s9 =	smul.u32 $0x190000, s9;
	s12 =	ssub.s32 s31, s7;
	s8 =	sshrl.u32 s11, $0x3  }
0xb: {  	s10 =	sadd.s32 $0x600, s11;
	s12 =	smax.u32 s12, $0x1;
	s6 =	sadd.s32 s4, s8  }
0xc: {  	s8 =	sadd.s32 $0x400, s11;
	s11 =	sor.u32 $0x200, s11;
	s7 =	sadd.s32 $0x40, s6  }
.LBB2_1:
0xd: {  	[tilespmem:s3], [sflag:$0x1] =	stream.linear.gather [hbm4b:s6+s3], $0x200, $0x38;
	[tilespmem:$0x10400] =	vst v63  }
0xe: {  	s22 =	simm.s32 $0x0  }
0xf: {  	[tilespmem:s13], [sflag:$0x2] =	stream.linear.gather [hbm4b:s7+s3], $0x200, $0x38;
	[tilespmem:$0x10400] =	vst v63  }
.LBB2_2:
0x10: {  	p0 =	seq.s32 s22, $0x0  }
0x11: {  	s23 =	simm.s32 @p0 $0x1  }
0x12: {  	_ =	swait.ge @p0 [sflag:s23], $0x200  }
0x13: {  	s24 =	simm.s32 @p0 $0x0;
	[sflag:s23] =	ssyncset.done @p0 $0x0  }
0x14: {  	s25 =	simm.s32 @p0 $0x400;
	[sflag:s23] =	ssyncadd.s32 @p0 $0xFFFFFE00;
	s23 =	simm.s32 @p0 $0x200  }
0x15: {  	[tilespmem:s25], [sflag:$0x3] =	stream.indirect.gather @p0 [hbm4b:s5+s23], $0x40, s24, s23, $0xb8;
	[tilespmem:$0x10400] =	vst v63  }
0x16: {  	s23 =	simm.s32 @!p0 $0x5  }
0x17: {  	_ =	swait.ge @!p0 [sflag:s23], $0x8000  }
0x18: {  	[sflag:s23] =	ssyncset.done @!p0 $0x0  }
0x19: {  	[sflag:s23] =	ssyncadd.s32 @!p0 $0xFFFF8000;
	s23 =	simm.s32 @!p0 $0x1  }
0x1a: {  	_ =	swait.ge @!p0 [sflag:s23], $0x200  }
0x1b: {  	s24 =	simm.s32 @!p0 $0x0;
	[sflag:s23] =	ssyncset.done @!p0 $0x0  }
0x1c: {  	s25 =	simm.s32 @!p0 $0x400;
	[sflag:s23] =	ssyncadd.s32 @!p0 $0xFFFFFE00;
	s23 =	simm.s32 @!p0 $0x200  }
0x1d: {  	[tilespmem:s25], [sflag:$0x3] =	stream.indirect.gather @!p0 [hbm4b:s5+s23], $0x40, s24, s23, $0xb8;
	[tilespmem:$0x10400] =	vst v63  }
0x1e: {  	s23 =	simm.s32 @!p0 $0x6  }
0x1f: {  	_ =	swait.ge @!p0 [sflag:s23], $0x8000  }
0x20: {  	[sflag:s23] =	ssyncset.done @!p0 $0x0  }
0x21: {  	[sflag:s23] =	ssyncadd.s32 @!p0 $0xFFFF8000  }
0x22: {  	_ =	swait.ge [sflag:s14], $0x200  }
0x23: {  	[sflag:s14] =	ssyncset.done $0x0  }
0x24: {  	s23 =	sshll.u32 s22, $0xA;
	p0 =	seq.s32 s22, $0x18;
	[sflag:s14] =	ssyncadd.s32 $0xFFFFFE00  }
0x25: {  	[tilespmem:s15], [sflag:$0x4] =	stream.indirect.gather [hbm4b:s5+s13], $0x40, s13, s13, $0xb8;
	[tilespmem:$0x10400] =	vst v63  }
0x26: {  	s24 =	sadd.s32 @!p0 s23, s8;
	_ =	swait.ge [sflag:s16], $0x8000  }
0x27: {  	s24 =	sshrl.u32 @!p0 s24, $0x3;
	[sflag:s16] =	ssyncset.done $0x0  }
0x28: {  	s25 =	simm.s32 @!p0 $0x0;
	s24 =	sadd.s32 @!p0 s4, s24;
	[sflag:s16] =	ssyncadd.s32 $0xFFFF8000  }
0x29: {  	[tilespmem:s25], [sflag:$0x1] =	stream.linear.gather @!p0 [hbm4b:s24+s25], $0x200, $0x38;
	[tilespmem:$0x10400] =	vst v63  }
0x2a: {  	s24 =	simm.s32 $0x0  }
0x2b: {  	v0 =	vld [tilespmem:s24+$0x400]  }
0x2c: {  	v1 =	vld [tilespmem:s24+$0x410]  }
0x2d: {  	v2 =	vld [tilespmem:s24+$0x420]  }
0x2e: {  	v3 =	vld [tilespmem:s24+$0x430]  }
0x2f: {  	v4 =	vld [tilespmem:s24+$0x440]  }
0x30: {  	v5 =	vld [tilespmem:s24+$0x450];
	v0 =	vmul.f32 $8.000000000e+00, v0  }
0x31: {  	v6 =	vld [tilespmem:s24+$0x460];
	v1 =	vmul.f32 $8.000000000e+00, v1  }
0x32: {  	v2 =	vmul.f32 $8.000000000e+00, v2;
	[tilespmem:s24+$0x400] =	vst v0;
	v0 =	vld [tilespmem:s24+$0x470]  }
0x33: {  	v3 =	vmul.f32 $8.000000000e+00, v3;
	[tilespmem:s24+$0x410] =	vst v1;
	v1 =	vld [tilespmem:s24+$0x480]  }
0x34: {  	v4 =	vmul.f32 $8.000000000e+00, v4;
	[tilespmem:s24+$0x420] =	vst v2;
	v2 =	vld [tilespmem:s24+$0x490]  }
0x35: {  	v5 =	vmul.f32 $8.000000000e+00, v5;
	[tilespmem:s24+$0x430] =	vst v3;
	v3 =	vld [tilespmem:s24+$0x4A0]  }
0x36: {  	v6 =	vmul.f32 $8.000000000e+00, v6;
	[tilespmem:s24+$0x440] =	vst v4;
	v4 =	vld [tilespmem:s24+$0x4B0]  }
0x37: {  	[tilespmem:s24+$0x450] =	vst v5;
	v5 =	vld [tilespmem:s24+$0x4C0];
	v0 =	vmul.f32 $8.000000000e+00, v0  }
0x38: {  	[tilespmem:s24+$0x460] =	vst v6;
	v6 =	vld [tilespmem:s24+$0x4D0];
	v1 =	vmul.f32 $8.000000000e+00, v1  }
0x39: {  	v2 =	vmul.f32 $8.000000000e+00, v2;
	[tilespmem:s24+$0x470] =	vst v0;
	v0 =	vld [tilespmem:s24+$0x4E0]  }
0x3a: {  	v3 =	vmul.f32 $8.000000000e+00, v3;
	[tilespmem:s24+$0x480] =	vst v1;
	v1 =	vld [tilespmem:s24+$0x4F0]  }
0x3b: {  	v4 =	vmul.f32 $8.000000000e+00, v4;
	[tilespmem:s24+$0x490] =	vst v2;
	v2 =	vld [tilespmem:s24+$0x500]  }
0x3c: {  	v5 =	vmul.f32 $8.000000000e+00, v5;
	[tilespmem:s24+$0x4A0] =	vst v3;
	v3 =	vld [tilespmem:s24+$0x510]  }
0x3d: {  	v6 =	vmul.f32 $8.000000000e+00, v6;
	[tilespmem:s24+$0x4B0] =	vst v4;
	v4 =	vld [tilespmem:s24+$0x520]  }
0x3e: {  	[tilespmem:s24+$0x4C0] =	vst v5;
	v5 =	vld [tilespmem:s24+$0x530];
	v0 =	vmul.f32 $8.000000000e+00, v0  }
0x3f: {  	[tilespmem:s24+$0x4D0] =	vst v6;
	v6 =	vld [tilespmem:s24+$0x540]  }
0x40: {  	v1 =	vmul.f32 $8.000000000e+00, v1;
	[tilespmem:s24+$0x4E0] =	vst v0;
	v0 =	vld [tilespmem:s24+$0x550]  }
0x41: {  	v2 =	vmul.f32 $8.000000000e+00, v2  }
0x42: {  	[tilespmem:s24+$0x4F0] =	vst v1;
	v1 =	vmul.f32 $8.000000000e+00, v3;
	v3 =	vld [tilespmem:s24+$0x570]  }
0x43: {  	v7 =	vld [tilespmem:s24+$0x560];
	[tilespmem:s24+$0x500] =	vst v2;
	v2 =	vmul.f32 $8.000000000e+00, v4  }
0x44: {  	v4 =	vld [tilespmem:s24+$0x580];
	[tilespmem:s24+$0x510] =	vst v1;
	v1 =	vmul.f32 $8.000000000e+00, v5  }
0x45: {  	[tilespmem:s24+$0x520] =	vst v2;
	v5 =	vld [tilespmem:s24+$0x590];
	v2 =	vmul.f32 $8.000000000e+00, v6;
	v6 =	vmul.f32 $8.000000000e+00, v0  }
0x46: {  	[tilespmem:s24+$0x530] =	vst v1;
	v1 =	vld [tilespmem:s24+$0x5A0]  }
0x47: {  	v0 =	vld [tilespmem:s24+$0x5B0];
	[tilespmem:s24+$0x550] =	vst v6;
	v6 =	vmul.f32 $8.000000000e+00, v3  }
0x48: {  	v7 =	vmul.f32 $8.000000000e+00, v7;
	[tilespmem:s24+$0x540] =	vst v2;
	v2 =	vld [tilespmem:s24+$0x5C0]  }
0x49: {  	v3 =	vld [tilespmem:s24+$0x5D0];
	[tilespmem:s24+$0x570] =	vst v6;
	v6 =	vmul.f32 $8.000000000e+00, v4  }
0x4a: {  	s25 =	simm.s32 $0x800;
	[tilespmem:s24+$0x560] =	vst v7;
	v5 =	vmul.f32 $8.000000000e+00, v5;
	v4 =	vld [tilespmem:s24+$0x5E0]  }
.LBB2_3:
0x4b: {  	s26 =	sshra.s32 s25, $0x2;
	p1 =	sne.s32 s25, $0x1F800;
	[tilespmem:s24+$0x580] =	vst v6;
	v1 =	vmul.f32 $8.000000000e+00, v1;
	v6 =	vld [tilespmem:s24+$0x5F0]  }
0x4c: {  	v7 =	vld [tilespmem:s26+$0x400];
	[tilespmem:s24+$0x590] =	vst v5;
	v0 =	vmul.f32 $8.000000000e+00, v0  }
0x4d: {  	v5 =	vld [tilespmem:s26+$0x410];
	[tilespmem:s24+$0x5A0] =	vst v1;
	v1 =	vmul.f32 $8.000000000e+00, v2  }
0x4e: {  	v2 =	vld [tilespmem:s26+$0x420];
	[tilespmem:s24+$0x5B0] =	vst v0;
	v0 =	vmul.f32 $8.000000000e+00, v3  }
0x4f: {  	v3 =	vld [tilespmem:s26+$0x430];
	[tilespmem:s24+$0x5C0] =	vst v1;
	v1 =	vmul.f32 $8.000000000e+00, v4  }
0x50: {  	v4 =	vld [tilespmem:s26+$0x440];
	[tilespmem:s24+$0x5D0] =	vst v0;
	v0 =	vmul.f32 $8.000000000e+00, v6  }
0x51: {  	v6 =	vmul.f32 $8.000000000e+00, v7;
	v7 =	vld [tilespmem:s26+$0x450];
	[tilespmem:s24+$0x5E0] =	vst v1  }
0x52: {  	v1 =	vmul.f32 $8.000000000e+00, v5;
	v5 =	vld [tilespmem:s26+$0x460];
	[tilespmem:s24+$0x5F0] =	vst v0;
	s24 =	smov.u32 s26  }
0x53: {  	[tilespmem:s24+$0x400] =	vst v6;
	v0 =	vmul.f32 $8.000000000e+00, v2;
	v2 =	vld [tilespmem:s24+$0x470]  }
0x54: {  	[tilespmem:s24+$0x410] =	vst v1;
	v1 =	vmul.f32 $8.000000000e+00, v3;
	v3 =	vld [tilespmem:s24+$0x480]  }
0x55: {  	[tilespmem:s24+$0x420] =	vst v0;
	v0 =	vmul.f32 $8.000000000e+00, v4;
	v4 =	vld [tilespmem:s24+$0x490]  }
0x56: {  	[tilespmem:s24+$0x430] =	vst v1;
	v1 =	vmul.f32 $8.000000000e+00, v7;
	v6 =	vld [tilespmem:s24+$0x4A0]  }
0x57: {  	[tilespmem:s24+$0x440] =	vst v0;
	v0 =	vmul.f32 $8.000000000e+00, v5;
	v5 =	vld [tilespmem:s24+$0x4B0]  }
0x58: {  	[tilespmem:s24+$0x450] =	vst v1;
	v1 =	vmul.f32 $8.000000000e+00, v2;
	v2 =	vld [tilespmem:s24+$0x4C0]  }
0x59: {  	[tilespmem:s24+$0x460] =	vst v0;
	v0 =	vmul.f32 $8.000000000e+00, v3;
	v3 =	vld [tilespmem:s24+$0x4D0]  }
0x5a: {  	[tilespmem:s24+$0x470] =	vst v1;
	v1 =	vmul.f32 $8.000000000e+00, v4;
	v4 =	vld [tilespmem:s24+$0x4E0]  }
0x5b: {  	[tilespmem:s24+$0x480] =	vst v0;
	v0 =	vmul.f32 $8.000000000e+00, v6;
	v6 =	vld [tilespmem:s24+$0x4F0]  }
0x5c: {  	[tilespmem:s24+$0x490] =	vst v1;
	v1 =	vmul.f32 $8.000000000e+00, v5;
	v5 =	vld [tilespmem:s24+$0x500]  }
0x5d: {  	[tilespmem:s24+$0x4A0] =	vst v0;
	v0 =	vmul.f32 $8.000000000e+00, v2;
	v2 =	vld [tilespmem:s24+$0x510]  }
0x5e: {  	[tilespmem:s24+$0x4B0] =	vst v1;
	v1 =	vmul.f32 $8.000000000e+00, v3;
	v3 =	vld [tilespmem:s24+$0x520]  }
0x5f: {  	[tilespmem:s24+$0x4C0] =	vst v0;
	v0 =	vmul.f32 $8.000000000e+00, v4;
	v4 =	vld [tilespmem:s24+$0x530]  }
0x60: {  	[tilespmem:s24+$0x4D0] =	vst v1;
	v1 =	vmul.f32 $8.000000000e+00, v6;
	v6 =	vld [tilespmem:s24+$0x540]  }
0x61: {  	[tilespmem:s24+$0x4E0] =	vst v0;
	v0 =	vmul.f32 $8.000000000e+00, v5;
	v5 =	vld [tilespmem:s24+$0x550]  }
0x62: {  	[tilespmem:s24+$0x4F0] =	vst v1;
	v1 =	vmul.f32 $8.000000000e+00, v2;
	v2 =	vld [tilespmem:s24+$0x560]  }
0x63: {  	[tilespmem:s24+$0x500] =	vst v0;
	v0 =	vmul.f32 $8.000000000e+00, v3;
	v3 =	vld [tilespmem:s24+$0x570]  }
0x64: {  	[tilespmem:s24+$0x510] =	vst v1;
	v1 =	vmul.f32 $8.000000000e+00, v4;
	v4 =	vld [tilespmem:s24+$0x580]  }
0x65: {  	[tilespmem:s24+$0x520] =	vst v0;
	v0 =	vmul.f32 $8.000000000e+00, v6;
	v7 =	vld [tilespmem:s24+$0x590]  }
.Ltmp0:
0x66: {  	[tilespmem:s24+$0x530] =	vst v1;
	v5 =	vmul.f32 $8.000000000e+00, v5;
	v1 =	vld [tilespmem:s24+$0x5A0];
	(pc) =	sbr.rel @p1 .LBB2_3-.Ltmp0, $4  }
0x67: {  	[tilespmem:s24+$0x540] =	vst v0;
	v6 =	vmul.f32 $8.000000000e+00, v2;
	v0 =	vld [tilespmem:s24+$0x5B0]  }
0x68: {  	[tilespmem:s24+$0x550] =	vst v5;
	v5 =	vmul.f32 $8.000000000e+00, v3;
	v2 =	vld [tilespmem:s24+$0x5C0]  }
0x69: {  	[tilespmem:s24+$0x560] =	vst v6;
	v6 =	vmul.f32 $8.000000000e+00, v4;
	v3 =	vld [tilespmem:s24+$0x5D0]  }
0x6a: {  	s25 =	sadd.s32 $0x800, s25;
	[tilespmem:s24+$0x570] =	vst v5;
	v5 =	vmul.f32 $8.000000000e+00, v7;
	v4 =	vld [tilespmem:s24+$0x5E0]  }
0x6b: {  	[tilespmem:s24+$0x580] =	vst v6;
	v1 =	vmul.f32 $8.000000000e+00, v1;
	v6 =	vld [tilespmem:s24+$0x5F0]  }
0x6c: {  	[tilespmem:s24+$0x590] =	vst v5;
	v0 =	vmul.f32 $8.000000000e+00, v0  }
0x6d: {  	[tilespmem:s24+$0x5A0] =	vst v1;
	v1 =	vmul.f32 $8.000000000e+00, v2  }
0x6e: {  	[tilespmem:s24+$0x5B0] =	vst v0;
	v0 =	vmul.f32 $8.000000000e+00, v3  }
0x6f: {  	s25 =	sshll.u32 s22, $0x10;
	[tilespmem:s24+$0x5C0] =	vst v1;
	v1 =	vmul.f32 $8.000000000e+00, v4  }
0x70: {  	s25 =	sadd.s32 s9, s25;
	[tilespmem:s24+$0x5D0] =	vst v0;
	v0 =	vmul.f32 $8.000000000e+00, v6  }
0x71: {  	s25 =	sshrl.u32 s25, $0x3;
	[tilespmem:s24+$0x5E0] =	vst v1  }
0x72: {  	s31 =	sadd.s32 s2, s25;
	[tilespmem:s24+$0x5F0] =	vst v0  }
0x73: {  	[hbm4b:s31+s3] =	stream.linear.scatter [tilespmem:s17], [sflag:$0x5], $0x8000, $0x38;
	[tilespmem:$0x10400] =	vst v63  }
0x74: {  	s24 =	sadd.s32 @!p0 s23, s10;
	_ =	swait.ge [sflag:s18], $0x8000  }
0x75: {  	s26 =	simm.s32 @!p0 $0x200;
	s24 =	sshrl.u32 @!p0 s24, $0x3;
	[sflag:s18] =	ssyncset.done $0x0  }
0x76: {  	s25 =	simm.s32 @!p0 $0x0;
	s24 =	sadd.s32 @!p0 s4, s24;
	[sflag:s18] =	ssyncadd.s32 $0xFFFF8000  }
0x77: {  	[tilespmem:s26], [sflag:$0x2] =	stream.linear.gather @!p0 [hbm4b:s24+s25], $0x200, $0x38;
	[tilespmem:$0x10400] =	vst v63  }
0x78: {  	s24 =	simm.s32 $0x0  }
0x79: {  	v0 =	vld [tilespmem:s24+$0x8400]  }
0x7a: {  	v1 =	vld [tilespmem:s24+$0x8410]  }
0x7b: {  	v2 =	vld [tilespmem:s24+$0x8420]  }
0x7c: {  	v3 =	vld [tilespmem:s24+$0x8430]  }
0x7d: {  	v4 =	vld [tilespmem:s24+$0x8440]  }
0x7e: {  	v5 =	vld [tilespmem:s24+$0x8450];
	v0 =	vmul.f32 $8.000000000e+00, v0  }
0x7f: {  	v6 =	vld [tilespmem:s24+$0x8460];
	v1 =	vmul.f32 $8.000000000e+00, v1  }
0x80: {  	v2 =	vmul.f32 $8.000000000e+00, v2;
	[tilespmem:s24+$0x8400] =	vst v0;
	v0 =	vld [tilespmem:s24+$0x8470]  }
0x81: {  	v3 =	vmul.f32 $8.000000000e+00, v3;
	[tilespmem:s24+$0x8410] =	vst v1;
	v1 =	vld [tilespmem:s24+$0x8480]  }
0x82: {  	v4 =	vmul.f32 $8.000000000e+00, v4;
	[tilespmem:s24+$0x8420] =	vst v2;
	v2 =	vld [tilespmem:s24+$0x8490]  }
0x83: {  	v5 =	vmul.f32 $8.000000000e+00, v5;
	[tilespmem:s24+$0x8430] =	vst v3;
	v3 =	vld [tilespmem:s24+$0x84A0]  }
0x84: {  	v6 =	vmul.f32 $8.000000000e+00, v6;
	[tilespmem:s24+$0x8440] =	vst v4;
	v4 =	vld [tilespmem:s24+$0x84B0]  }
0x85: {  	[tilespmem:s24+$0x8450] =	vst v5;
	v5 =	vld [tilespmem:s24+$0x84C0];
	v0 =	vmul.f32 $8.000000000e+00, v0  }
0x86: {  	[tilespmem:s24+$0x8460] =	vst v6;
	v6 =	vld [tilespmem:s24+$0x84D0];
	v1 =	vmul.f32 $8.000000000e+00, v1  }
0x87: {  	v2 =	vmul.f32 $8.000000000e+00, v2;
	[tilespmem:s24+$0x8470] =	vst v0;
	v0 =	vld [tilespmem:s24+$0x84E0]  }
0x88: {  	v3 =	vmul.f32 $8.000000000e+00, v3;
	[tilespmem:s24+$0x8480] =	vst v1;
	v1 =	vld [tilespmem:s24+$0x84F0]  }
0x89: {  	v4 =	vmul.f32 $8.000000000e+00, v4;
	[tilespmem:s24+$0x8490] =	vst v2;
	v2 =	vld [tilespmem:s24+$0x8500]  }
0x8a: {  	v5 =	vmul.f32 $8.000000000e+00, v5;
	[tilespmem:s24+$0x84A0] =	vst v3;
	v3 =	vld [tilespmem:s24+$0x8510]  }
0x8b: {  	v6 =	vmul.f32 $8.000000000e+00, v6;
	[tilespmem:s24+$0x84B0] =	vst v4;
	v4 =	vld [tilespmem:s24+$0x8520]  }
0x8c: {  	[tilespmem:s24+$0x84C0] =	vst v5;
	v5 =	vld [tilespmem:s24+$0x8530];
	v0 =	vmul.f32 $8.000000000e+00, v0  }
0x8d: {  	[tilespmem:s24+$0x84D0] =	vst v6;
	v6 =	vld [tilespmem:s24+$0x8540]  }
0x8e: {  	v1 =	vmul.f32 $8.000000000e+00, v1;
	[tilespmem:s24+$0x84E0] =	vst v0;
	v0 =	vld [tilespmem:s24+$0x8550]  }
0x8f: {  	v2 =	vmul.f32 $8.000000000e+00, v2  }
0x90: {  	[tilespmem:s24+$0x84F0] =	vst v1;
	v1 =	vmul.f32 $8.000000000e+00, v3;
	v3 =	vld [tilespmem:s24+$0x8570]  }
0x91: {  	v7 =	vld [tilespmem:s24+$0x8560];
	[tilespmem:s24+$0x8500] =	vst v2;
	v2 =	vmul.f32 $8.000000000e+00, v4  }
0x92: {  	v4 =	vld [tilespmem:s24+$0x8580];
	[tilespmem:s24+$0x8510] =	vst v1;
	v1 =	vmul.f32 $8.000000000e+00, v5  }
0x93: {  	[tilespmem:s24+$0x8520] =	vst v2;
	v5 =	vld [tilespmem:s24+$0x8590];
	v2 =	vmul.f32 $8.000000000e+00, v6;
	v6 =	vmul.f32 $8.000000000e+00, v0  }
0x94: {  	[tilespmem:s24+$0x8530] =	vst v1;
	v1 =	vld [tilespmem:s24+$0x85A0]  }
0x95: {  	v0 =	vld [tilespmem:s24+$0x85B0];
	[tilespmem:s24+$0x8550] =	vst v6;
	v6 =	vmul.f32 $8.000000000e+00, v3  }
0x96: {  	v7 =	vmul.f32 $8.000000000e+00, v7;
	[tilespmem:s24+$0x8540] =	vst v2;
	v2 =	vld [tilespmem:s24+$0x85C0]  }
0x97: {  	v3 =	vld [tilespmem:s24+$0x85D0];
	[tilespmem:s24+$0x8570] =	vst v6;
	v6 =	vmul.f32 $8.000000000e+00, v4  }
0x98: {  	s25 =	simm.s32 $0x800;
	[tilespmem:s24+$0x8560] =	vst v7;
	v5 =	vmul.f32 $8.000000000e+00, v5;
	v4 =	vld [tilespmem:s24+$0x85E0]  }
.LBB2_5:
0x99: {  	s26 =	sshra.s32 s25, $0x2;
	p0 =	sne.s32 s25, $0x1F800;
	[tilespmem:s24+$0x8580] =	vst v6;
	v1 =	vmul.f32 $8.000000000e+00, v1;
	v6 =	vld [tilespmem:s24+$0x85F0]  }
0x9a: {  	v7 =	vld [tilespmem:s26+$0x8400];
	[tilespmem:s24+$0x8590] =	vst v5;
	v0 =	vmul.f32 $8.000000000e+00, v0  }
0x9b: {  	v5 =	vld [tilespmem:s26+$0x8410];
	[tilespmem:s24+$0x85A0] =	vst v1;
	v1 =	vmul.f32 $8.000000000e+00, v2  }
0x9c: {  	v2 =	vld [tilespmem:s26+$0x8420];
	[tilespmem:s24+$0x85B0] =	vst v0;
	v0 =	vmul.f32 $8.000000000e+00, v3  }
0x9d: {  	v3 =	vld [tilespmem:s26+$0x8430];
	[tilespmem:s24+$0x85C0] =	vst v1;
	v1 =	vmul.f32 $8.000000000e+00, v4  }
0x9e: {  	v4 =	vld [tilespmem:s26+$0x8440];
	[tilespmem:s24+$0x85D0] =	vst v0;
	v0 =	vmul.f32 $8.000000000e+00, v6  }
0x9f: {  	v6 =	vmul.f32 $8.000000000e+00, v7;
	v7 =	vld [tilespmem:s26+$0x8450];
	[tilespmem:s24+$0x85E0] =	vst v1  }
0xa0: {  	v1 =	vmul.f32 $8.000000000e+00, v5;
	v5 =	vld [tilespmem:s26+$0x8460];
	[tilespmem:s24+$0x85F0] =	vst v0;
	s24 =	smov.u32 s26  }
0xa1: {  	[tilespmem:s24+$0x8400] =	vst v6;
	v0 =	vmul.f32 $8.000000000e+00, v2;
	v2 =	vld [tilespmem:s24+$0x8470]  }
0xa2: {  	[tilespmem:s24+$0x8410] =	vst v1;
	v1 =	vmul.f32 $8.000000000e+00, v3;
	v3 =	vld [tilespmem:s24+$0x8480]  }
0xa3: {  	[tilespmem:s24+$0x8420] =	vst v0;
	v0 =	vmul.f32 $8.000000000e+00, v4;
	v4 =	vld [tilespmem:s24+$0x8490]  }
0xa4: {  	[tilespmem:s24+$0x8430] =	vst v1;
	v1 =	vmul.f32 $8.000000000e+00, v7;
	v6 =	vld [tilespmem:s24+$0x84A0]  }
0xa5: {  	[tilespmem:s24+$0x8440] =	vst v0;
	v0 =	vmul.f32 $8.000000000e+00, v5;
	v5 =	vld [tilespmem:s24+$0x84B0]  }
0xa6: {  	[tilespmem:s24+$0x8450] =	vst v1;
	v1 =	vmul.f32 $8.000000000e+00, v2;
	v2 =	vld [tilespmem:s24+$0x84C0]  }
0xa7: {  	[tilespmem:s24+$0x8460] =	vst v0;
	v0 =	vmul.f32 $8.000000000e+00, v3;
	v3 =	vld [tilespmem:s24+$0x84D0]  }
0xa8: {  	[tilespmem:s24+$0x8470] =	vst v1;
	v1 =	vmul.f32 $8.000000000e+00, v4;
	v4 =	vld [tilespmem:s24+$0x84E0]  }
0xa9: {  	[tilespmem:s24+$0x8480] =	vst v0;
	v0 =	vmul.f32 $8.000000000e+00, v6;
	v6 =	vld [tilespmem:s24+$0x84F0]  }
0xaa: {  	[tilespmem:s24+$0x8490] =	vst v1;
	v1 =	vmul.f32 $8.000000000e+00, v5;
	v5 =	vld [tilespmem:s24+$0x8500]  }
0xab: {  	[tilespmem:s24+$0x84A0] =	vst v0;
	v0 =	vmul.f32 $8.000000000e+00, v2;
	v2 =	vld [tilespmem:s24+$0x8510]  }
0xac: {  	[tilespmem:s24+$0x84B0] =	vst v1;
	v1 =	vmul.f32 $8.000000000e+00, v3;
	v3 =	vld [tilespmem:s24+$0x8520]  }
0xad: {  	[tilespmem:s24+$0x84C0] =	vst v0;
	v0 =	vmul.f32 $8.000000000e+00, v4;
	v4 =	vld [tilespmem:s24+$0x8530]  }
0xae: {  	[tilespmem:s24+$0x84D0] =	vst v1;
	v1 =	vmul.f32 $8.000000000e+00, v6;
	v6 =	vld [tilespmem:s24+$0x8540]  }
0xaf: {  	[tilespmem:s24+$0x84E0] =	vst v0;
	v0 =	vmul.f32 $8.000000000e+00, v5;
	v5 =	vld [tilespmem:s24+$0x8550]  }
0xb0: {  	[tilespmem:s24+$0x84F0] =	vst v1;
	v1 =	vmul.f32 $8.000000000e+00, v2;
	v2 =	vld [tilespmem:s24+$0x8560]  }
0xb1: {  	[tilespmem:s24+$0x8500] =	vst v0;
	v0 =	vmul.f32 $8.000000000e+00, v3;
	v3 =	vld [tilespmem:s24+$0x8570]  }
0xb2: {  	[tilespmem:s24+$0x8510] =	vst v1;
	v1 =	vmul.f32 $8.000000000e+00, v4;
	v4 =	vld [tilespmem:s24+$0x8580]  }
0xb3: {  	[tilespmem:s24+$0x8520] =	vst v0;
	v0 =	vmul.f32 $8.000000000e+00, v6;
	v7 =	vld [tilespmem:s24+$0x8590]  }
.Ltmp1:
0xb4: {  	[tilespmem:s24+$0x8530] =	vst v1;
	v5 =	vmul.f32 $8.000000000e+00, v5;
	v1 =	vld [tilespmem:s24+$0x85A0];
	(pc) =	sbr.rel @p0 .LBB2_5-.Ltmp1, $4  }
0xb5: {  	[tilespmem:s24+$0x8540] =	vst v0;
	v6 =	vmul.f32 $8.000000000e+00, v2;
	v0 =	vld [tilespmem:s24+$0x85B0]  }
0xb6: {  	[tilespmem:s24+$0x8550] =	vst v5;
	v5 =	vmul.f32 $8.000000000e+00, v3;
	v2 =	vld [tilespmem:s24+$0x85C0]  }
0xb7: {  	[tilespmem:s24+$0x8560] =	vst v6;
	v6 =	vmul.f32 $8.000000000e+00, v4;
	v3 =	vld [tilespmem:s24+$0x85D0]  }
0xb8: {  	s25 =	sadd.s32 $0x800, s25;
	[tilespmem:s24+$0x8570] =	vst v5;
	v5 =	vmul.f32 $8.000000000e+00, v7;
	v4 =	vld [tilespmem:s24+$0x85E0]  }
0xb9: {  	[tilespmem:s24+$0x8580] =	vst v6;
	v1 =	vmul.f32 $8.000000000e+00, v1;
	v59 =	vld [tilespmem:s24+$0x85F0]  }
0xba: {  	[tilespmem:s24+$0x8590] =	vst v5;
	v0 =	vmul.f32 $8.000000000e+00, v0  }
0xbb: {  	s22 =	sadd.s32 $0x1, s22;
	[tilespmem:s24+$0x85A0] =	vst v1;
	v60 =	vmul.f32 $8.000000000e+00, v2  }
0xbc: {  	p0 =	sne.s32 s22, $0x19;
	[tilespmem:s24+$0x85B0] =	vst v0;
	v61 =	vmul.f32 $8.000000000e+00, v3  }
.Ltmp2:
0xbd: {  	s23 =	sadd.s32 s23, s11;
	[tilespmem:s24+$0x85C0] =	vst v60;
	v62 =	vmul.f32 $8.000000000e+00, v4;
	(pc) =	sbr.rel @p0 .LBB2_2-.Ltmp2, $4  }
0xbe: {  	s23 =	sshll.u32 s23, $0x3;
	[tilespmem:s24+$0x85D0] =	vst v61;
	v63 =	vmul.f32 $8.000000000e+00, v59  }
0xbf: {  	s23 =	sand.u32 $0x1FFFF000, s23;
	[tilespmem:s24+$0x85E0] =	vst v62  }
0xc0: {  	s23 =	sadd.s32 s2, s23;
	[tilespmem:s24+$0x85F0] =	vst v63  }
0xc1: {  	[hbm4b:s23+s3] =	stream.linear.scatter [tilespmem:s15], [sflag:$0x6], $0x8000, $0x38;
	[tilespmem:$0x10400] =	vst v63  }
0xc2: {  	s21 =	sadd.s32 $0x1, s21  }
0xc3: {  	_ =	swait.ge [sflag:s19], $0x8000;
	p0 =	sne.s32 s21, s12  }
.Ltmp3:
0xc4: {  	[sflag:s19] =	ssyncset.done $0x0;
	(pc) =	sbr.rel @p0 .LBB2_1-.Ltmp3, $4  }
0xc5: {  	[sflag:s19] =	ssyncadd.s32 $0xFFFF8000  }
0xc6: {  	_ =	swait.ge [sflag:s20], $0x8000  }
0xc7: {  	[sflag:s20] =	ssyncset.done $0x0  }
0xc8: {  	[sflag:s20] =	ssyncadd.s32 $0xFFFF8000  }
0xc9: {  	_ =	sfence.sel $0x180000  }
0xca: {  	[bflag:$0x0] =	sbarrier.arrive $0xFFFF  }
0xcb: {  	p0 =	sne.s32 s0, $0x0;
	_ =	strace $0x90000047  }
0xcc: {  	s0 =	sadd.s32 @!p0 $0x100000, s1;
	[bflag:$0x2] =	sbarrier.arrive $0xFFFF  }
0xcd: {  	[sflag:s0] =	ssyncadd.tile.s32 @!p0 $0x1;
	_ =	shalt  }
.Lfunc_end2:
_tile_overlayer_lowered:
.L_overlay_start_2:
0xce: {  	(tag) =	ssettag $0x2  }
0xcf: {  	s0 =	rddreg [dreg:$0x0];
	s2 =	stileid.u32  }
0xd0: {  	s1 =	rddreg [dreg:$0x1];
	p0 =	sne.s32 s2, $0x0  }
0xd1: {  	s3 =	rddreg [dreg:$0x2];
	[bflag:$0x3] =	sbarrier.arrive $0xFFFF;
	s2 =	simm.s32 @!p0 $0x1C07  }
0xd2: {  	[timem:s3], [sflag:s2] =	dma.local @!p0 [hbm:s0], s1  }
0xd3: {  	s0 =	simm.s32 @!p0 $0x7  }
0xd4: {  	_ =	swait.ge @!p0 [sflag:s0], s1  }
0xd5: {  	s1 =	ssub.s32 @!p0 $0x0, s1;
	[sflag:s0] =	ssyncset.done @!p0 $0x0  }
0xd6: {  	[sflag:s0] =	ssyncadd.s32 @!p0 s1  }
0xd7: {  	[bflag:$0x3] =	sbarrier.arrive $0xFFFF  }
0xd8: {  	_ =	shalt  }

// kernel: sparse-core-data-format-call.cloned.1.call-start
scs
called_computation_lowered:
.L_overlay_start_0:
0x0: {  	s2 =	sld [smem:$0x3FD9]  }
0x1: {  	s3 =	sld [smem:$0x3FFE];
	_ =	sdelay $0x1  }
0x2: {  	s1 =	srdreg.scid  }
0x3: {  	s0 =	sand.u32 $0x1, s1  }
0x4: {  	s18 =	sshll.u32 s0, $0xA;
	s2 =	sadd.s32 s3, s2  }
0x5: {  	s2 =	sadd.s32 s2, s18  }
0x6: {  	[smem:$0x3FC6] =	sst s2  }
0x7: {  	_ = 	snop  }
0x8: {  	s2 =	sld [smem:$0x3FD0];
	(tm) =	ssettm $0x1  }
0x9: {  	s19 =	sld [smem:$0x3FFB];
	_ =	sdelay $0x3  }
0xa: {  	_ =	strace s19  }
0xb: {  	s3 =	sld [smem:$0x3FFC];
	_ =	sdelay $0x3  }
0xc: {  	_ =	strace s3  }
0xd: {  	s3 =	sld [smem:$0x3FFD];
	_ =	sdelay $0x3  }
0xe: {  	_ =	strace s3  }
0xf: {  	_ =	strace $0x8FFFFFFF  }
0x10: {  	s20 =	sld [smem:$0x3FDB];
	_ =	sdelay $0x1  }
0x11: {  	s4 =	simm.s32 $_scs_section_size  }
0x12: {  	s5 =	simm.s32 $_size__tile_overlayer_lowered;
	s6 =	simm.s32 $_tile_overlayer_lowered  }
0x13: {  	s23 =	simm.s32 $0x1BFF;
	s22 =	sshll.u32 s6, $0x1;
	s3 =	sadd.s32 s4, s20  }
0x14: {  	s7 =	simm.s32 $0x0;
	s21 =	sshll.u32 s5, $0x1;
	s5 =	sadd.s32 s22, s3  }
0x15: {  	[timem:s7], [sflag:s23] =	dma.local [hbm:s5], s21  }
0x16: {  	_ =	swait.ge [sflag:s23], s21  }
0x17: {  	s4 =	ssub.s32 $0x0, s21;
	[sflag:s23] =	ssyncset.done $0x0  }
0x18: {  	[sflag:s23] =	ssyncadd.s32 s4;
	_ =	sdelay $0x1  }
0x19: {  	s24 =	simm.s32 $0x1B8B  }
0x1a: {  	_ =	swait.ge [sflag:s24], $0x1  }
0x1b: {  	[sflag:s24] =	ssyncset.done $0x0  }
0x1c: {  	s26 =	simm.s32 $0x1B8E;
	s25 =	sld [smem:$0x3FFE];
	[sflag:s24] =	ssyncadd.s32 $0xFFFFFFFF  }
0x1d: {  	s27 =	simm.s32 $execute0_lowered;
	[smem:$0x3FD2] =	sst s26  }
0x1e: {  	s5 =	sshll.u32 s27, $0x1;
	_ =	strace $0x80000049;
	[dreg:$0x1] =	wrdreg $0xFFFFFFFF  }
0x1f: {  	s28 =	simm.s32 $_size_execute0_lowered;
	s3 =	sadd.s32 s3, s5;
	[dreg:$0x0] =	wrdreg $0x0  }
0x20: {  	s5 =	sshll.u32 s28, $0x1;
	[dreg:$0x2] =	wrdreg s3  }
0x21: {  	[dreg:$0x3] =	wrdreg s5  }
0x22: {  	[dreg:$0x4] =	wrdreg $0xC0  }
0x23: {  	_ =	task [dreg:s7], $0x5FFFF  }
0x24: {  	[dreg:$0x1] =	wrdreg $0xFFFFFFFF  }
0x25: {  	[dreg:$0x0] =	wrdreg $0x60  }
0x26: {  	[dreg:$0x2] =	wrdreg s25  }
0x27: {  	[dreg:$0x3] =	wrdreg s2  }
0x28: {  	[dreg:$0x4] =	wrdreg $0x9  }
0x29: {  	_ =	task.clear_ibuf [dreg:s7], $0x5FFFF;
	_ =	strace $0x90000049  }
0x2a: {  	s29 =	simm.s32 $0x9;
	_ =	strace $0x8000004B  }
0x2b: {  	_ =	swait.ge [sflag:s29], $0x1  }
0x2c: {  	[sflag:s29] =	ssyncadd.s32 $0xFFFFFFFF  }
0x2d: {  	_ =	strace $0x9000004B  }
0x2e: {  	_ =	sfence  }
0x2f: {  	s30 =	sld [smem:$0x0];
	_ =	sdelay $0x2  }
0x30: {  	s31 =	sshll.u32 s1, $0xD;
	s1 =	sshrl.u32 s1, $0x2  }
0x31: {  	s3 =	sand.u32 $0x4000, s31;
	s1 =	sadd.s32 s1, s30  }
0x32: {  	s0 =	sor.u32 s3, s0;
	s1 =	sshll.u32 s1, $0x11  }
0x33: {  	s0 =	sor.u32 s1, s0  }
0x34: {  	s0 =	sadd.s32 $0x8F2B, s0  }
0x35: {  	[sflag:s0] =	ssyncadd.remote.s32 $0x1  }
0x36: {  	_ =	sfence.sel $0xFFFF  }
0x37: {  	[dreg:$0x0] =	wrdreg $0xFFFFFFFF;
	(pc) =	sbr.abs _section_cstart, $3  }
0x38: {  	[dreg:$0x1] =	wrdreg $0xFFFFFFFF  }
0x39: {  	_ =	task.clear_ibuf [dreg:s7], $0x2FFFF;
	_ =	strace $0x9FFFFFFF  }
0x3a: {  	(tm) =	ssettm $0x7FFFFFFF  }
0x3b: {  	_ =	shalt  }
tec
execute0_lowered:
.L_overlay_start_1:
0x0: {  	(tag) =	ssettag $0x1  }
0x1: {  	s0 =	srdreg.scid  }
0x2: {  	s1 =	sshll.u32 s0, $0x4  }
0x3: {  	s0 =	stileid.u32;
	s1 =	sand.u32 $0x10, s1  }
0x4: {  	s1 =	sor.u32 s0, s1  }
0x5: {  	s6 =	rddreg [dreg:$0x0];
	s4 =	simm.s32 $0x1;
	s2 =	sshll.u32 s1, $0x7  }
0x6: {  	s7 =	simm.s32 $0x2;
	s12 =	simm.s32 $0x0;
	s1 =	ssub.s32 $0x1000, s2  }
0x7: {  	s8 =	simm.s32 $0x8000;
	s13 =	simm.s32 $0x0;
	s3 =	sand.u32 $0xF80, s1  }
0x8: {  	s9 =	simm.s32 $0x0;
	s5 =	sshrl.u32 s1, $0xC;
	p0 =	sne.s32 s3, $0x0  }
.Ltmp0:
0x9: {  	s1 =	rddreg [dreg:$0x2];
	s4 =	simm.s32 @!p0 $0x0;
	(pc) =	sbr.rel .LBB1_1-.Ltmp0, $4  }
0xa: {  	s11 =	simm.s32 $0x0;
	s3 =	rddreg [dreg:$0x1];
	s5 =	sadd.s32 s4, s5  }
0xb: {  	_ =	strace $0x8000004A;
	s4 =	simm.s32 $0x1;
	s5 =	smul.u32 $0xC8, s5  }
0xc: {  	s6 =	sadd.s32 $0xA00, s6;
	s10 =	smov.u32 s2;
	[sflag:s4] =	ssyncpa.u1 $0x0  }
0xd: {  	p0 =	por $0x0, $0x0;
	[sflag:s7] =	ssyncpa.u1 $0x0;
	s7 =	sor.u32 $0x1, s5  }
.LBB1_4:
0xe: {  	s16 =	sshll.u32 s13, $0x3;
	s17 =	sand.u32 $0x78, s13  }
0xf: {  	s30 =	sand.u32 $0x7E00, s13;
	s12 =	sshll.u32 s12, $0xF;
	s16 =	sand.u32 $0xC00, s16  }
0x10: {  	[tilespmem:s15+$0x810 ss:$0x81] =	vst.msk $0xffff, v2;
	s31 =	sand.u32 $0x7, s13;
	s16 =	sor.u32 s17, s16;
	s17 =	sadd.s32 s3, s30  }
0x11: {  	[tilespmem:s15+$0x1020 ss:$0x81] =	vst.msk $0xffff, v0;
	s13 =	sshll.u32 s31, $0x12;
	s12 =	sadd.s32 s12, s17;
	s16 =	sshrl.u32 s16, $0x3  }
0x12: {  	[tilespmem:s15+$0x0 ss:$0x81] =	vst.msk $0xffff, v1;
	s13 =	sor.u32 $0x400, s13;
	s12 =	sadd.s32 s16, s12  }
0x13: {  	[hbm4b:s12+s13] =	stream.strided.scatter [tilespmem:s14], [sflag:$0x2], $0x2000, s8, s13, $0x20;
	[tilespmem:$0x8080] =	vst v63  }
.LBB1_5:
0x14: {  	s14 =	sadd.s32 $0x1, s9  }
0x15: {  	s12 =	sadd.s32 $0x1000, s10;
	s16 =	smov.u32 s10;
	p2 =	sgt.s32 s14, $0xC7  }
0x16: {  	s16 =	smov.u32 @p2 s12  }
0x17: {  	s14 =	simm.s32 @p2 $0x0;
	p2 =	sgt.s32 s16, $0xFFF  }
0x18: {  	s16 =	smov.u32 @p2 s2;
	p2 =	sne.s32 s11, s7  }
.Ltmp1:
0x19: {  	p1 =	slt.u32 s11, $0x2;
	(pc) =	sbr.rel @!p2 .LBB1_6-.Ltmp1, $4  }
0x1a: {  	s15 =	simm.s32 @!p1 $0x2  }
0x1b: {  	s13 =	smov.u32 s10;
	p0 =	por !p0, !p0;
	_ =	swait.ge @!p1 [sflag:s15], $0x2000  }
0x1c: {  	s12 =	smov.u32 s9;
	[sflag:s15] =	ssyncset.done @!p1 $0x0;
	s9 =	smov.u32 s14  }
0x1d: {  	s11 =	sadd.s32 $0x1, s11;
	[sflag:s15] =	ssyncadd.s32 @!p1 $0xFFFFE000;
	s10 =	smov.u32 s16  }
.LBB1_1:
0x1e: {  	p1 =	sge.u32 s11, s5  }
0x1f: {  	s14 =	sand.u32 @!p1 $0x1FFFFFF, s9  }
0x20: {  	s15 =	smulhi.u32 @!p1 $0x147AE15, s14;
	_ =	sdelay $0x1  }
0x21: {  	s15 =	smul.u32 @!p1 $0xC8, s15  }
0x22: {  	s16 =	sxor.u32 @!p1 $0xFFFFFFFF, s11;
	s17 =	smul.u32 @!p1 $0xC80, s10  }
0x23: {  	s31 =	sadd.s32 $0xFFFFFFFF, s11;
	s16 =	sshll.u32 @!p1 s16, $0xD;
	s14 =	ssub.s32 @!p1 s14, s15  }
0x24: {  	s15 =	sand.u32 @!p1 $0x2000, s16;
	s16 =	sadd.s32 @!p1 s6, s17;
	s14 =	sshll.u32 @!p1 s14, $0x4  }
0x25: {  	s17 =	simm.s32 @!p1 $0x6400;
	s14 =	sadd.s32 @!p1 s14, s16;
	s16 =	simm.s32 @!p1 $0x40  }
0x26: {  	[tilespmem:s15], [sflag:$0x1] =	stream.strided.gather @!p1 [hbm4b:s14+s16], $0x2000, s17, s16, $0x38;
	[tilespmem:$0x8080] =	vst v63  }
0x27: {  	p1 =	sge.u32 s31, s5  }
.Ltmp2:
0x28: {  	_ = 	snop;
	(pc) =	sbr.rel @p1 .LBB1_5-.Ltmp2, $1  }
0x29: {  	_ =	sdelay $0x3  }
0x2a: {  	s14 =	simm.s32 $0x1  }
0x2b: {  	_ =	swait.ge [sflag:s4], $0x2000;
	s14 =	simm.s32 @!p0 $0x0  }
0x2c: {  	[sflag:s4] =	ssyncset.done $0x0;
	s15 =	sshll.u32 s14, $0xD  }
0x2d: {  	[sflag:s4] =	ssyncadd.s32 $0xFFFFE000;
	s18 =	sor.u32 $0x20, s15  }
0x2e: {  	s14 =	smul.u32 $0x8100, s14;
	v3 =	vld [tilespmem:s18+$0x10]  }
0x2f: {  	s30 =	sand.u32 $0x1, s11;
	v2 =	vld [tilespmem:s18+$0xFFFFFFF0]  }
0x30: {  	s15 =	smul.u32 $0x8100, s30;
	s14 =	sshrl.u32 s14, $0x2;
	v0 =	vld [tilespmem:s18+$0x0]  }
0x31: {  	v1 =	vld [tilespmem:s18+$0xFFFFFFE0];
	s16 =	sor.u32 $0x4000, s14  }
0x32: {  	s31 =	sshrl.u32 s15, $0x2;
	s15 =	sadd.s32 $0x0, s16  }
0x33: {  	s17 =	simm.s32 $0x4;
	s18 =	sadd.s32 $0x40, s18;
	s14 =	sor.u32 $0x4000, s31;
	[tilespmem:s15+$0x1830 ss:$0x81] =	vst.msk $0xffff, v3  }
.LBB1_3:
0x34: {  	v3 =	vld [tilespmem:s18+$0x10];
	p1 =	sne.s32 s17, $0x1FC;
	[tilespmem:s15+$0x810 ss:$0x81] =	vst.msk $0xffff, v2;
	s19 =	smov.u32 s17;
	s17 =	sadd.s32 $0x4, s17  }
.Ltmp3:
0x35: {  	v2 =	vld [tilespmem:s18+$0xFFFFFFF0];
	[tilespmem:s15+$0x1020 ss:$0x81] =	vst.msk $0xffff, v0;
	(pc) =	sbr.rel @p1 .LBB1_3-.Ltmp3, $4  }
0x36: {  	v0 =	vld [tilespmem:s18+$0x0];
	[tilespmem:s15+$0x0 ss:$0x81] =	vst.msk $0xffff, v1  }
0x37: {  	s15 =	sshra.s32 s19, $0x2;
	v1 =	vld [tilespmem:s18+$0xFFFFFFE0]  }
0x38: {  	s15 =	sadd.s32 s15, s16  }
0x39: {  	s18 =	sadd.s32 $0x40, s18;
	[tilespmem:s15+$0x1830 ss:$0x81] =	vst.msk $0xffff, v3  }
.Ltmp4:
0x3a: {  	_ = 	snop;
	(pc) =	sbr.rel .LBB1_4-.Ltmp4, $1  }
0x3b: {  	_ =	sdelay $0x3  }
.LBB1_6:
0x3c: {  	_ =	sfence.sel $0x180000  }
0x3d: {  	s2 =	simm.s32 $0x1;
	[bflag:$0x0] =	sbarrier.arrive $0xFFFF  }
0x3e: {  	s31 =	simm.s32 $0x2;
	[sflag:s2] =	ssyncpa.u1 $0x1  }
0x3f: {  	[sflag:s31] =	ssyncpa.u1 $0x1  }
0x40: {  	p0 =	sne.s32 s0, $0x0;
	_ =	strace $0x9000004A  }
0x41: {  	s0 =	sadd.s32 @!p0 $0x100000, s1;
	[bflag:$0x2] =	sbarrier.arrive $0xFFFF  }
0x42: {  	[sflag:s0] =	ssyncadd.tile.s32 @!p0 $0x1;
	_ =	shalt  }
.Lfunc_end1:
_tile_overlayer_lowered:
.L_overlay_start_2:
0x43: {  	(tag) =	ssettag $0x2  }
0x44: {  	s0 =	rddreg [dreg:$0x0];
	s2 =	stileid.u32  }
0x45: {  	s1 =	rddreg [dreg:$0x1];
	p0 =	sne.s32 s2, $0x0  }
0x46: {  	s3 =	rddreg [dreg:$0x2];
	[bflag:$0x3] =	sbarrier.arrive $0xFFFF;
	s2 =	simm.s32 @!p0 $0x1C01  }
0x47: {  	[timem:s3], [sflag:s2] =	dma.local @!p0 [hbm:s0], s1  }
0x48: {  	s0 =	simm.s32 @!p0 $0x1  }
0x49: {  	_ =	swait.ge @!p0 [sflag:s0], s1  }
0x4a: {  	s1 =	ssub.s32 @!p0 $0x0, s1;
	[sflag:s0] =	ssyncset.done @!p0 $0x0  }
0x4b: {  	[sflag:s0] =	ssyncadd.s32 @!p0 s1  }
0x4c: {  	[bflag:$0x3] =	sbarrier.arrive $0xFFFF  }
0x4d: {  	_ =	shalt  }

</sc_bundles>
